<compile_context>
chip_gen: v7x
topology: tpu7x:2x2x1
jax: 0.10.2.dev20260603
libtpu: 0.0.44.dev20260713+nightly
codegen_flags: <defaults>
</compile_context>

<pallas_src>
import jax
import jax.numpy as jnp
from jax.experimental import pallas as pl
from jax.experimental.pallas import tpu as pltpu
from jax.experimental.pallas import tpu_sc as plsc

_E = 8
_H = 768
_H2 = _H // 2
_T = 4096
_RT = 256
_MT = 256
_NBUF = _T * 2 + _E * _MT
_SCW = 128


def _router_kernel(x_ref, rw_ref, rb_ref, xlr_ref, p_ref, eid_ref,
                   rank_ref, counts_ref, carry_ref):
    t = pl.program_id(0)

    @pl.when(t == 0)
    def _init():
        carry_ref[...] = jnp.zeros_like(carry_ref)

    x = x_ref[...]
    scores = jnp.dot(x, rw_ref[...], preferred_element_type=jnp.float32)
    scores = scores + rb_ref[...]
    m = jnp.max(scores, axis=-1, keepdims=True)
    ex = jnp.exp(scores - m)
    probs = ex / jnp.sum(ex, axis=-1, keepdims=True)

    i0 = jnp.argmax(probs, axis=-1).reshape(-1, 1)
    p0 = jnp.max(probs, axis=-1, keepdims=True)
    iota = jax.lax.broadcasted_iota(jnp.int32, probs.shape, 1)
    masked = jnp.where(iota == i0, probs - 2.0, probs)
    i1 = jnp.argmax(masked, axis=-1).reshape(-1, 1)
    p1 = jnp.max(masked, axis=-1, keepdims=True)
    denom = p0 + p1

    oh0 = (iota == i0).astype(jnp.float32)
    oh1 = (iota == i1).astype(jnp.float32)
    r_iota = jax.lax.broadcasted_iota(jnp.int32, (_RT, _RT), 0)
    c_iota = jax.lax.broadcasted_iota(jnp.int32, (_RT, _RT), 1)
    tri = (r_iota > c_iota).astype(jnp.float32)
    s0 = jnp.dot(tri, oh0, preferred_element_type=jnp.float32)
    c0 = jnp.sum(oh0, axis=0, keepdims=True)
    s1 = c0 + jnp.dot(tri, oh1, preferred_element_type=jnp.float32)
    c1 = jnp.sum(oh1, axis=0, keepdims=True)

    carry = carry_ref[...]
    rank0 = jnp.sum(oh0 * (carry + s0), axis=-1, keepdims=True)
    rank1 = jnp.sum(oh1 * (carry + s1), axis=-1, keepdims=True)
    carry = carry + c0 + c1
    carry_ref[...] = carry
    counts_ref[...] = carry.astype(jnp.int32)

    xlr_ref[0] = x[:, :_H2]
    xlr_ref[1] = x[:, _H2:]
    p_ref[...] = jnp.concatenate([p0 / denom, p1 / denom], axis=1)
    eid_ref[...] = jnp.concatenate([i0, i1], axis=1)
    rank_ref[...] = jnp.concatenate([rank0, rank1], axis=1).astype(jnp.int32)


def _posmap_kernel(eid_ref, rank_ref, counts_ref, pos_ref, te_ref):
    counts = counts_ref[...].astype(jnp.float32)
    pad = jnp.ceil(counts / _MT) * _MT
    r8 = jax.lax.broadcasted_iota(jnp.int32, (_E, _E), 0)
    c8 = jax.lax.broadcasted_iota(jnp.int32, (_E, _E), 1)
    ltri = (r8 < c8).astype(jnp.float32)
    off = jnp.dot(pad, ltri, preferred_element_type=jnp.float32)

    eid = eid_ref[...]
    iota_a = jax.lax.broadcasted_iota(jnp.int32, (_T, _E), 1)
    oha = (eid[:, 0:1] == iota_a).astype(jnp.float32)
    ohb = (eid[:, 1:2] == iota_a).astype(jnp.float32)
    off_col = off.reshape(_E, 1)
    base_a = jnp.dot(oha, off_col, preferred_element_type=jnp.float32)
    base_b = jnp.dot(ohb, off_col, preferred_element_type=jnp.float32)
    pos = rank_ref[...] + jnp.concatenate([base_a, base_b], axis=1).astype(jnp.int32)
    post = pos.T
    pos_ref[...] = jnp.concatenate([post, post + _NBUF], axis=0)

    n_tiles = _NBUF // _MT
    tvals = (jax.lax.broadcasted_iota(jnp.int32, (n_tiles, 1), 0) * _MT).astype(
        jnp.float32
    )
    te = jnp.sum((off <= tvals).astype(jnp.int32), axis=-1, keepdims=True) - 1
    te_ref[...] = te


def _sc_scatter(xlr, pos4):
    mesh = plsc.VectorSubcoreMesh(core_axis_name="core",
                                  subcore_axis_name="subcore")

    @pl.kernel(out_type=jax.ShapeDtypeStruct((2 * _NBUF, _H2), jnp.float32),
               mesh=mesh)
    def k(x_hbm, i_hbm, o_hbm):
        def body(x_vmem, i_vmem):
            pltpu.sync_copy(x_vmem.at[0], o_hbm.at[i_vmem.at[0]])

        pltpu.emit_pipeline(
            body,
            grid=(2, 2, _T // _SCW),
            in_specs=[
                pl.BlockSpec((1, _SCW, _H2), index_map=lambda h, k, i: (h, i, 0)),
                pl.BlockSpec((1, _SCW), index_map=lambda h, k, i: (2 * h + k, i)),
            ],
            out_specs=[],
            core_axis_name=("core", "subcore"),
            dimension_semantics=(pltpu.PARALLEL, pltpu.PARALLEL, pltpu.PARALLEL),
        )(x_hbm, i_hbm)

    return k(xlr, pos4)


def _sc_gather(y2flat, pos2):
    mesh = plsc.VectorSubcoreMesh(core_axis_name="core",
                                  subcore_axis_name="subcore")

    @pl.kernel(out_type=jax.ShapeDtypeStruct((2, 2 * _T, _H2), jnp.float32),
               mesh=mesh)
    def k(y_hbm, i_hbm, o_hbm):
        def body(i_vmem, o_vmem):
            pltpu.sync_copy(y_hbm.at[i_vmem.at[0]], o_vmem.at[0])

        pltpu.emit_pipeline(
            body,
            grid=(2, 2 * _T // _SCW),
            in_specs=[pl.BlockSpec((1, _SCW), index_map=lambda h, i: (h, i))],
            out_specs=[
                pl.BlockSpec((1, _SCW, _H2), index_map=lambda h, i: (h, i, 0))
            ],
            core_axis_name=("core", "subcore"),
            dimension_semantics=(pltpu.PARALLEL, pltpu.PARALLEL),
        )(i_hbm, o_hbm)

    return k(y2flat, pos2)


def _matmul_kernel(te_ref, xgl_ref, xgr_ref, ew_ref, eb_ref, y2_ref, wb_ref):
    t = pl.program_id(0)

    @pl.when(t == 0)
    def _cast_weights():
        wb_ref[...] = ew_ref[...].astype(jnp.bfloat16)

    e = te_ref[t, 0]
    xb = jnp.concatenate([xgl_ref[0], xgr_ref[0]], axis=1).astype(jnp.bfloat16)
    y = jnp.dot(xb, wb_ref[e], preferred_element_type=jnp.float32)
    y = y + eb_ref[pl.ds(e, 1), :]
    y2_ref[0] = y[:, :_H2]
    y2_ref[1] = y[:, _H2:]


def _combine_kernel(yl0_ref, yl1_ref, yr0_ref, yr1_ref, p_ref, out_ref):
    w0 = p_ref[:, 0:1]
    w1 = p_ref[:, 1:2]
    left = w0 * yl0_ref[0] + w1 * yl1_ref[0]
    right = w0 * yr0_ref[0] + w1 * yr1_ref[0]
    out_ref[...] = jnp.concatenate([left, right], axis=1)


def _router(flat_x, router_w, rb2):
    return pl.pallas_call(
        _router_kernel,
        grid=(_T // _RT,),
        in_specs=[
            pl.BlockSpec((_RT, _H), lambda t: (t, 0)),
            pl.BlockSpec((_H, _E), lambda t: (0, 0)),
            pl.BlockSpec((1, _E), lambda t: (0, 0)),
        ],
        out_specs=[
            pl.BlockSpec((2, _RT, _H2), lambda t: (0, t, 0)),
            pl.BlockSpec((_RT, 2), lambda t: (t, 0)),
            pl.BlockSpec((_RT, 2), lambda t: (t, 0)),
            pl.BlockSpec((_RT, 2), lambda t: (t, 0)),
            pl.BlockSpec((1, _E), lambda t: (0, 0)),
        ],
        out_shape=[
            jax.ShapeDtypeStruct((2, _T, _H2), jnp.float32),
            jax.ShapeDtypeStruct((_T, 2), jnp.float32),
            jax.ShapeDtypeStruct((_T, 2), jnp.int32),
            jax.ShapeDtypeStruct((_T, 2), jnp.int32),
            jax.ShapeDtypeStruct((1, _E), jnp.int32),
        ],
        scratch_shapes=[pltpu.VMEM((1, _E), jnp.float32)],
    )(flat_x, router_w, rb2)


def _posmap(eid, rank, counts):
    n_tiles = _NBUF // _MT
    return pl.pallas_call(
        _posmap_kernel,
        grid=(1,),
        in_specs=[
            pl.BlockSpec((_T, 2), lambda t: (0, 0)),
            pl.BlockSpec((_T, 2), lambda t: (0, 0)),
            pl.BlockSpec((1, _E), lambda t: (0, 0)),
        ],
        out_specs=[
            pl.BlockSpec((4, _T), lambda t: (0, 0)),
            pl.BlockSpec((n_tiles, 1), lambda t: (0, 0)),
        ],
        out_shape=[
            jax.ShapeDtypeStruct((4, _T), jnp.int32),
            jax.ShapeDtypeStruct((n_tiles, 1), jnp.int32),
        ],
    )(eid, rank, counts)


def _grouped_matmul(te, xg2, expert_w, expert_b):
    xg3 = xg2.reshape(2, _NBUF, _H2)
    grid_spec = pltpu.PrefetchScalarGridSpec(
        num_scalar_prefetch=1,
        grid=(_NBUF // _MT,),
        in_specs=[
            pl.BlockSpec((1, _MT, _H2), lambda t, te_ref: (0, t, 0)),
            pl.BlockSpec((1, _MT, _H2), lambda t, te_ref: (1, t, 0)),
            pl.BlockSpec((_E, _H, _H), lambda t, te_ref: (0, 0, 0)),
            pl.BlockSpec((_E, _H), lambda t, te_ref: (0, 0)),
        ],
        out_specs=pl.BlockSpec((2, _MT, _H2), lambda t, te_ref: (0, t, 0)),
        scratch_shapes=[pltpu.VMEM((_E, _H, _H), jnp.bfloat16)],
    )
    return pl.pallas_call(
        _matmul_kernel,
        grid_spec=grid_spec,
        out_shape=jax.ShapeDtypeStruct((2, _NBUF, _H2), jnp.float32),
    )(te, xg3, xg3, expert_w, expert_b)


def _combine(yg, p):
    ct = 512
    kb = _T // ct
    return pl.pallas_call(
        _combine_kernel,
        grid=(kb,),
        in_specs=[
            pl.BlockSpec((1, ct, _H2), lambda t: (0, t, 0)),
            pl.BlockSpec((1, ct, _H2), lambda t: (0, t + kb, 0)),
            pl.BlockSpec((1, ct, _H2), lambda t: (1, t, 0)),
            pl.BlockSpec((1, ct, _H2), lambda t: (1, t + kb, 0)),
            pl.BlockSpec((ct, 2), lambda t: (t, 0)),
        ],
        out_specs=pl.BlockSpec((ct, _H), lambda t: (t, 0)),
        out_shape=jax.ShapeDtypeStruct((_T, _H), jnp.float32),
    )(yg, yg, yg, yg, p)


def kernel(x, router_w, router_b, expert_w, expert_b):
    b, s, h = x.shape
    flat_x = x.reshape(_T, _H)
    rb2 = router_b.reshape(1, -1)

    xlr, p, eid, rank, counts = _router(flat_x, router_w, rb2)
    pos4, te = _posmap(eid, rank, counts)
    xg2 = _sc_scatter(xlr, pos4)
    y2 = _grouped_matmul(te, xg2, expert_w, expert_b)
    yg = _sc_gather(y2.reshape(2 * _NBUF, _H2), pos4.reshape(2, 2 * _T))
    out = _combine(yg, p)
    return out.reshape(b, s, h)

# --- scband reference (transcript-rebuilt; emitter-appended) ---
"""Pipeline reference for scband-mnist-model-74113955660226 (READ-ONLY COPY).

The authoritative reference and input builder live on the scoring server;
editing this copy changes nothing except your own understanding.
"""

import jax, jax.numpy as jnp
import numpy as np

NUM_EXPERTS = 8
TOP_K = 2


def setup_inputs(seed: int = 0) -> dict:
    key = jax.random.key(seed)
    ks = jax.random.split(key, 5)
    b, s, h = 2, 2048, 768
    x = jax.random.normal(ks[0], (b, s, h), dtype=jnp.float32)
    router_w = jax.random.normal(ks[1], (h, NUM_EXPERTS), dtype=jnp.float32) * (1.0 / np.sqrt(h))
    router_b = jnp.zeros((NUM_EXPERTS,), dtype=jnp.float32)
    expert_w = jax.random.normal(ks[2], (NUM_EXPERTS, h, h), dtype=jnp.float32) * (1.0 / np.sqrt(h))
    expert_b = jnp.zeros((NUM_EXPERTS, h), dtype=jnp.float32)
    return {"x": x, "router_w": router_w, "router_b": router_b,
            "expert_w": expert_w, "expert_b": expert_b}


def reference(x, router_w, router_b, expert_w, expert_b):
    # Faithful single-rank (world_size=1) translation of koMoE.forward:
    # all_gather / reduce_scatter collapse to identity when world_size == 1.
    b, s, h = x.shape
    scores = jnp.einsum('bsh,he->bse', x, router_w) + router_b
    probs_0 = jax.nn.softmax(scores, axis=-1)
    p, expert_id = jax.lax.top_k(probs_0, TOP_K)  # [b, s, k]
    flat_x = x.reshape(-1, h)                       # [b*s, h]
    flat_eid = expert_id.reshape(-1, TOP_K)         # [b*s, k]
    # output_total[B, S, K, :] = expert_i(global_x[B, S, :]) where global_expert_id == i
    output_total = jnp.zeros((flat_x.shape[0], TOP_K, h), dtype=x.dtype)
    for i in range(NUM_EXPERTS):
        y = flat_x @ expert_w[i] + expert_b[i]      # [b*s, h]
        mask = (flat_eid == i)                      # [b*s, k]
        output_total = jnp.where(mask[..., None], y[:, None, :], output_total)
    # p = p / p.sum(dim=2, keepdim)
    p = p / jnp.sum(p, axis=-1, keepdims=True)
    out = output_total.reshape(b, s, TOP_K, h)
    output = jnp.sum(p[..., None] * out, axis=2)    # [b, s, h]
    return output

if __name__ == "__main__":
    import jax
    _d = setup_inputs()
    print(jax.jit(kernel)(*tuple(_d.values())))

</pallas_src>

<mosaic_0001>
#map = affine_map<(d0, d1) -> (0, 0)>
#map1 = affine_map<(d0, d1) -> (0, 0, 0)>
module attributes {stable_mosaic.version = 14 : i64} {
  func.func @k(%arg0: i32, %arg1: i32, %arg2: memref<20480x384xf32, #tpu.memory_space<hbm>>, %arg3: memref<2x8192xi32, #tpu.memory_space<hbm>>, %arg4: memref<2x8192x384xf32, #tpu.memory_space<hbm>>) attributes {dimension_semantics = [#tpu.dimension_semantics<core_parallel>, #tpu.dimension_semantics<subcore_parallel>], iteration_bounds = array<i64: 2, 16>, scalar_prefetch = 0 : i64, scratch_operands = 0 : i64, tpu.core_type = #tpu.core_type<sc_vector_subcore>, window_params = [{transform_indices = #map}, {transform_indices = #map}, {transform_indices = #map1}]} {
    %mul3A = arith.constant 1 : i32
    %mul3A_0 = arith.muli %arg1, %mul3A : i32
    %add3A = arith.constant 0 : i32
    %add3A_1 = arith.addi %add3A, %mul3A_0 : i32
    %mul3A_2 = arith.constant 16 : i32
    %mul3A_3 = arith.muli %arg0, %mul3A_2 : i32
    %add3A_4 = arith.addi %add3A_1, %mul3A_3 : i32
    %mul3A_5 = arith.constant 2 : i32
    %mul3A_6 = arith.muli %add3A_4, %mul3A_5 : i32
    "tpu.region"() ({
      %run_scoped3A = memref.alloca() : memref<2x1x128xi32, #tpu.memory_space<vmem>>
      %run_scoped3A_7 = tpu.sem_alloc : memref<2x!tpu.dma_semaphore, #tpu.memory_space<semaphore_mem>>
      %run_scoped3A_8 = memref.alloca() : memref<2x1x128x384xf32, #tpu.memory_space<vmem>>
      %run_scoped3A_9 = tpu.sem_alloc : memref<2x!tpu.dma_semaphore, #tpu.memory_space<semaphore_mem>>
      %add3A_10 = arith.constant 0 : i32
      %add3A_11 = arith.addi %add3A_10, %mul3A_6 : i32
      %select_n3A = arith.constant true
      %select_n3A_12 = arith.constant 0 : i32
      %select_n3A_13 = arith.constant -1 : i32
      %select_n3A_14 = arith.select %select_n3A, %select_n3A_13, %select_n3A_12 : i32
      %eq3A = arith.constant -1 : i32
      %eq3A_15 = arith.cmpi eq, %select_n3A_14, %eq3A : i32
      %select_n3A_16 = arith.constant 1 : i32
      %select_n3A_17 = arith.select %eq3A_15, %select_n3A_16, %select_n3A_14 : i32
      %select_n3A_18 = arith.constant 0 : i32
      %select_n3A_19 = arith.constant -1 : i32
      %select_n3A_20 = arith.select %eq3A_15, %select_n3A_19, %select_n3A_18 : i32
      %eq3A_21 = arith.constant -1 : i32
      %eq3A_22 = arith.cmpi eq, %select_n3A_20, %eq3A_21 : i32
      %select_n3A_23 = arith.constant 1 : i32
      %select_n3A_24 = arith.select %eq3A_22, %select_n3A_23, %select_n3A_20 : i32
      %add3A_25 = arith.constant 0 : i32
      %add3A_26 = arith.addi %select_n3A_24, %add3A_25 : i32
      %add3A_27 = arith.addi %select_n3A_17, %mul3A_6 : i32
      %select_n3A_28 = arith.constant true
      %select_n3A_29 = arith.constant 0 : i32
      %select_n3A_30 = arith.constant 1 : i32
      %select_n3A_31 = arith.select %select_n3A_28, %select_n3A_30, %select_n3A_29 : i32
      %eq3A_32 = arith.constant 2 : i32
      %eq3A_33 = arith.cmpi eq, %select_n3A_31, %eq3A_32 : i32
      %select_n3A_34 = arith.constant 0 : i32
      %select_n3A_35 = arith.select %eq3A_33, %select_n3A_34, %select_n3A_31 : i32
      %select_n3A_36 = arith.constant 0 : i32
      %select_n3A_37 = arith.constant 1 : i32
      %select_n3A_38 = arith.select %eq3A_33, %select_n3A_37, %select_n3A_36 : i32
      %eq3A_39 = arith.constant 2 : i32
      %eq3A_40 = arith.cmpi eq, %select_n3A_38, %eq3A_39 : i32
      %select_n3A_41 = arith.constant 0 : i32
      %select_n3A_42 = arith.select %eq3A_40, %select_n3A_41, %select_n3A_38 : i32
      %add3A_43 = arith.constant 0 : i32
      %add3A_44 = arith.addi %select_n3A_42, %add3A_43 : i32
      %add3A_45 = arith.addi %select_n3A_35, %mul3A_6 : i32
      %add3A_46 = arith.constant 1 : i32
      %add3A_47 = arith.addi %select_n3A_35, %add3A_46 : i32
      %select_n3A_48 = arith.constant true
      %select_n3A_49 = arith.select %select_n3A_48, %add3A_47, %select_n3A_35 : i32
      %eq3A_50 = arith.constant 2 : i32
      %eq3A_51 = arith.cmpi eq, %select_n3A_49, %eq3A_50 : i32
      %select_n3A_52 = arith.constant 0 : i32
      %select_n3A_53 = arith.select %eq3A_51, %select_n3A_52, %select_n3A_49 : i32
      %add3A_54 = arith.constant 1 : i32
      %add3A_55 = arith.addi %select_n3A_42, %add3A_54 : i32
      %select_n3A_56 = arith.select %eq3A_51, %add3A_55, %select_n3A_42 : i32
      %eq3A_57 = arith.constant 2 : i32
      %eq3A_58 = arith.cmpi eq, %select_n3A_56, %eq3A_57 : i32
      %select_n3A_59 = arith.constant 0 : i32
      %select_n3A_60 = arith.select %eq3A_58, %select_n3A_59, %select_n3A_56 : i32
      %add3A_61 = arith.constant 0 : i32
      %add3A_62 = arith.addi %select_n3A_60, %add3A_61 : i32
      %add3A_63 = arith.addi %select_n3A_53, %mul3A_6 : i32
      "tpu.trace_start"() <{level = 10 : i32, message = "ep_initialize_0"}> : () -> ()
      %rem3A = arith.constant 0 : i32
      %rem3A_64 = arith.constant 2 : i32
      %rem3A_65 = arith.remui %rem3A, %rem3A_64 : i32
      %mul3A_66 = arith.constant 128 : i32
      %mul3A_67 = arith.muli %mul3A_66, %add3A_11 : i32
      %dma_start3A = arith.constant 0 : i32
      %dma_start3A_68 = arith.constant 0 : i32
      %dma_start3A_69 = tpu.memref_slice %run_scoped3A[%rem3A_65, %dma_start3A, %dma_start3A_68] : memref<2x1x128xi32, #tpu.memory_space<vmem>> -> memref<1x1x128xi32, #tpu.memory_space<vmem>>
      %dma_start3A_70 = tpu.memref_squeeze %dma_start3A_69 : memref<1x1x128xi32, #tpu.memory_space<vmem>> -> memref<1x128xi32, #tpu.memory_space<vmem>>
      %dma_start3A_71 = arith.constant 0 : i32
      %dma_start3A_72 = tpu.memref_slice %arg3[%dma_start3A_71, %mul3A_67] : memref<2x8192xi32, #tpu.memory_space<hbm>> -> memref<1x128xi32, #tpu.memory_space<hbm>>
      %dma_start3A_73 = tpu.memref_slice %run_scoped3A_7[%rem3A_65] : memref<2x!tpu.dma_semaphore, #tpu.memory_space<semaphore_mem>> -> memref<1x!tpu.dma_semaphore, #tpu.memory_space<semaphore_mem>>
      %dma_start3A_74 = tpu.memref_squeeze %dma_start3A_73 : memref<1x!tpu.dma_semaphore, #tpu.memory_space<semaphore_mem>> -> memref<!tpu.dma_semaphore, #tpu.memory_space<semaphore_mem>>
      %dma_start3A_75 = arith.constant 0 : i32
      %dma_start3A_76 = arith.constant 0 : i32
      %dma_start3A_77 = tpu.memref_slice %run_scoped3A[%rem3A_65, %dma_start3A_75, %dma_start3A_76] : memref<2x1x128xi32, #tpu.memory_space<vmem>> -> memref<1x1x128xi32, #tpu.memory_space<vmem>>
      %dma_start3A_78 = tpu.memref_squeeze %dma_start3A_77 : memref<1x1x128xi32, #tpu.memory_space<vmem>> -> memref<1x128xi32, #tpu.memory_space<vmem>>
      %dma_start3A_79 = arith.constant 0 : i32
      %dma_start3A_80 = tpu.memref_slice %arg3[%dma_start3A_79, %mul3A_67] : memref<2x8192xi32, #tpu.memory_space<hbm>> -> memref<1x128xi32, #tpu.memory_space<hbm>>
      tpu.enqueue_dma source(%dma_start3A_80 : memref<1x128xi32, #tpu.memory_space<hbm>>) target(%dma_start3A_78 : memref<1x128xi32, #tpu.memory_space<vmem>>) target_semaphore(%dma_start3A_74 : memref<!tpu.dma_semaphore, #tpu.memory_space<semaphore_mem>>)
      %add3A_81 = arith.constant 0 : i32
      %add3A_82 = arith.constant 1 : i32
      %add3A_83 = arith.addi %add3A_81, %add3A_82 : i32
      %select_n3A_84 = arith.constant true
      %select_n3A_85 = arith.constant 0 : i32
      %select_n3A_86 = arith.select %select_n3A_84, %add3A_83, %select_n3A_85 : i32
      "tpu.trace_stop"() : () -> ()
      %scan3A = arith.constant 0 : i32
      %scan3A_87 = arith.constant 0 : i32
      %scan3A_88 = arith.constant 0 : i32
      %scan3A_89 = arith.constant 0 : i32
      %scan3A_90 = arith.constant 0 : i32
      %scan3A_91 = arith.constant 0 : i32
      %scan3A_92 = arith.constant 4 : i32
      %scan3A_93 = arith.addi %scan3A_91, %scan3A_92 : i32
      %scan3A_94 = arith.constant 1 : i32
      %scan3A_95:6 = scf.for %scan3A_189 = %scan3A_91 to %scan3A_93 step %scan3A_94 iter_args(%scan3A_190 = %select_n3A_86, %scan3A_191 = %scan3A, %scan3A_192 = %scan3A_87, %scan3A_193 = %scan3A_88, %scan3A_194 = %scan3A_89, %scan3A_195 = %scan3A_90) -> (i32, i32, i32, i32, i32, i32)  : i32 {
        %eq3A_196 = arith.constant 0 : i32
        %eq3A_197 = arith.cmpi eq, %scan3A_189, %eq3A_196 : i32
        %eq3A_198 = arith.constant 3 : i32
        %eq3A_199 = arith.cmpi eq, %scan3A_189, %eq3A_198 : i32
        %add3A_200 = arith.constant 0 : i32
        %add3A_201 = arith.addi %scan3A_194, %add3A_200 : i32
        %add3A_202 = arith.addi %scan3A_195, %mul3A_6 : i32
        %sub3A_203 = arith.constant 1 : i32
        %sub3A_204 = arith.subi %scan3A_195, %sub3A_203 : i32
        %select_n3A_205 = arith.constant true
        %select_n3A_206 = arith.select %select_n3A_205, %sub3A_204, %scan3A_195 : i32
        %eq3A_207 = arith.constant -1 : i32
        %eq3A_208 = arith.cmpi eq, %select_n3A_206, %eq3A_207 : i32
        %select_n3A_209 = arith.constant 1 : i32
        %select_n3A_210 = arith.select %eq3A_208, %select_n3A_209, %select_n3A_206 : i32
        %sub3A_211 = arith.constant 1 : i32
        %sub3A_212 = arith.subi %scan3A_194, %sub3A_211 : i32
        %select_n3A_213 = arith.select %eq3A_208, %sub3A_212, %scan3A_194 : i32
        %eq3A_214 = arith.constant -1 : i32
        %eq3A_215 = arith.cmpi eq, %select_n3A_213, %eq3A_214 : i32
        %select_n3A_216 = arith.constant 1 : i32
        %select_n3A_217 = arith.select %eq3A_215, %select_n3A_216, %select_n3A_213 : i32
        %add3A_218 = arith.constant 0 : i32
        %add3A_219 = arith.addi %select_n3A_217, %add3A_218 : i32
        %add3A_220 = arith.addi %select_n3A_210, %mul3A_6 : i32
        %add3A_221 = arith.constant 1 : i32
        %add3A_222 = arith.addi %scan3A_195, %add3A_221 : i32
        %select_n3A_223 = arith.constant true
        %select_n3A_224 = arith.select %select_n3A_223, %add3A_222, %scan3A_195 : i32
        %eq3A_225 = arith.constant 2 : i32
        %eq3A_226 = arith.cmpi eq, %select_n3A_224, %eq3A_225 : i32
        %select_n3A_227 = arith.constant 0 : i32
        %select_n3A_228 = arith.select %eq3A_226, %select_n3A_227, %select_n3A_224 : i32
        %add3A_229 = arith.constant 1 : i32
        %add3A_230 = arith.addi %scan3A_194, %add3A_229 : i32
        %select_n3A_231 = arith.select %eq3A_226, %add3A_230, %scan3A_194 : i32
        %eq3A_232 = arith.constant 2 : i32
        %eq3A_233 = arith.cmpi eq, %select_n3A_231, %eq3A_232 : i32
        %select_n3A_234 = arith.constant 0 : i32
        %select_n3A_235 = arith.select %eq3A_233, %select_n3A_234, %select_n3A_231 : i32
        %add3A_236 = arith.constant 0 : i32
        %add3A_237 = arith.addi %select_n3A_235, %add3A_236 : i32
        %add3A_238 = arith.addi %select_n3A_228, %mul3A_6 : i32
        %add3A_239 = arith.constant 1 : i32
        %add3A_240 = arith.addi %select_n3A_228, %add3A_239 : i32
        %select_n3A_241 = arith.constant true
        %select_n3A_242 = arith.select %select_n3A_241, %add3A_240, %select_n3A_228 : i32
        %eq3A_243 = arith.constant 2 : i32
        %eq3A_244 = arith.cmpi eq, %select_n3A_242, %eq3A_243 : i32
        %select_n3A_245 = arith.constant 0 : i32
        %select_n3A_246 = arith.select %eq3A_244, %select_n3A_245, %select_n3A_242 : i32
        %add3A_247 = arith.constant 1 : i32
        %add3A_248 = arith.addi %select_n3A_235, %add3A_247 : i32
        %select_n3A_249 = arith.select %eq3A_244, %add3A_248, %select_n3A_235 : i32
        %eq3A_250 = arith.constant 2 : i32
        %eq3A_251 = arith.cmpi eq, %select_n3A_249, %eq3A_250 : i32
        %select_n3A_252 = arith.constant 0 : i32
        %select_n3A_253 = arith.select %eq3A_251, %select_n3A_252, %select_n3A_249 : i32
        %add3A_254 = arith.constant 0 : i32
        %add3A_255 = arith.addi %select_n3A_253, %add3A_254 : i32
        %add3A_256 = arith.addi %select_n3A_246, %mul3A_6 : i32
        %ne3A = arith.cmpi ne, %add3A_201, %add3A_237 : i32
        %ne3A_257 = arith.cmpi ne, %add3A_202, %add3A_238 : i32
        %or3A = arith.constant false
        %or3A_258 = arith.ori %or3A, %ne3A : i1
        %or3A_259 = arith.ori %or3A_258, %ne3A_257 : i1
        %ge3A = arith.constant 3 : i32
        %ge3A_260 = arith.cmpi sge, %scan3A_189, %ge3A : i32
        %not3A = arith.constant true
        %not3A_261 = arith.xori %ge3A_260, %not3A : i1
        %and3A = arith.andi %or3A_259, %not3A_261 : i1
        %convert_element_type3A = arith.extui %and3A : i1 to i32
        %cond3A = arith.constant 0 : i32
        %cond3A_262 = arith.cmpi ne, %convert_element_type3A, %cond3A : i32
        scf.if %cond3A_262 {
          "tpu.trace_start"() <{level = 10 : i32, message = "ep_copy_in"}> : () -> ()
          %rem3A_388 = arith.constant 2 : i32
          %rem3A_389 = arith.remui %scan3A_190, %rem3A_388 : i32
          %mul3A_390 = arith.constant 1 : i32
          %mul3A_391 = arith.muli %mul3A_390, %add3A_237 : i32
          %mul3A_392 = arith.constant 128 : i32
          %mul3A_393 = arith.muli %mul3A_392, %add3A_238 : i32
          %dma_start3A_394 = arith.constant 0 : i32
          %dma_start3A_395 = arith.constant 0 : i32
          %dma_start3A_396 = tpu.memref_slice %run_scoped3A[%rem3A_389, %dma_start3A_394, %dma_start3A_395] : memref<2x1x128xi32, #tpu.memory_space<vmem>> -> memref<1x1x128xi32, #tpu.memory_space<vmem>>
          %dma_start3A_397 = tpu.memref_squeeze %dma_start3A_396 : memref<1x1x128xi32, #tpu.memory_space<vmem>> -> memref<1x128xi32, #tpu.memory_space<vmem>>
          %dma_start3A_398 = tpu.memref_slice %arg3[%mul3A_391, %mul3A_393] : memref<2x8192xi32, #tpu.memory_space<hbm>> -> memref<1x128xi32, #tpu.memory_space<hbm>>
          %dma_start3A_399 = tpu.memref_slice %run_scoped3A_7[%rem3A_389] : memref<2x!tpu.dma_semaphore, #tpu.memory_space<semaphore_mem>> -> memref<1x!tpu.dma_semaphore, #tpu.memory_space<semaphore_mem>>
          %dma_start3A_400 = tpu.memref_squeeze %dma_start3A_399 : memref<1x!tpu.dma_semaphore, #tpu.memory_space<semaphore_mem>> -> memref<!tpu.dma_semaphore, #tpu.memory_space<semaphore_mem>>
          %dma_start3A_401 = arith.constant 0 : i32
          %dma_start3A_402 = arith.constant 0 : i32
          %dma_start3A_403 = tpu.memref_slice %run_scoped3A[%rem3A_389, %dma_start3A_401, %dma_start3A_402] : memref<2x1x128xi32, #tpu.memory_space<vmem>> -> memref<1x1x128xi32, #tpu.memory_space<vmem>>
          %dma_start3A_404 = tpu.memref_squeeze %dma_start3A_403 : memref<1x1x128xi32, #tpu.memory_space<vmem>> -> memref<1x128xi32, #tpu.memory_space<vmem>>
          %dma_start3A_405 = tpu.memref_slice %arg3[%mul3A_391, %mul3A_393] : memref<2x8192xi32, #tpu.memory_space<hbm>> -> memref<1x128xi32, #tpu.memory_space<hbm>>
          tpu.enqueue_dma source(%dma_start3A_405 : memref<1x128xi32, #tpu.memory_space<hbm>>) target(%dma_start3A_404 : memref<1x128xi32, #tpu.memory_space<vmem>>) target_semaphore(%dma_start3A_400 : memref<!tpu.dma_semaphore, #tpu.memory_space<semaphore_mem>>)
          "tpu.trace_stop"() : () -> ()
        } else {
        }
        %and3A_263 = arith.constant true
        %and3A_264 = arith.andi %and3A, %and3A_263 : i1
        %add3A_265 = arith.constant 1 : i32
        %add3A_266 = arith.addi %scan3A_190, %add3A_265 : i32
        %select_n3A_267 = arith.select %and3A_264, %add3A_266, %scan3A_190 : i32
        %ne3A_268 = arith.cmpi ne, %add3A_201, %add3A_237 : i32
        %ne3A_269 = arith.cmpi ne, %add3A_202, %add3A_238 : i32
        %or3A_270 = arith.constant false
        %or3A_271 = arith.ori %or3A_270, %ne3A_268 : i1
        %or3A_272 = arith.ori %or3A_271, %ne3A_269 : i1
        %or3A_273 = arith.constant false
        %or3A_274 = arith.ori %or3A_272, %or3A_273 : i1
        %ge3A_275 = arith.constant 3 : i32
        %ge3A_276 = arith.cmpi sge, %scan3A_189, %ge3A_275 : i32
        %not3A_277 = arith.constant true
        %not3A_278 = arith.xori %ge3A_276, %not3A_277 : i1
        %and3A_279 = arith.andi %or3A_274, %not3A_278 : i1
        %ne3A_280 = arith.cmpi ne, %add3A_201, %add3A_219 : i32
        %ne3A_281 = arith.cmpi ne, %add3A_202, %add3A_220 : i32
        %or3A_282 = arith.constant false
        %or3A_283 = arith.ori %or3A_282, %ne3A_280 : i1
        %or3A_284 = arith.ori %or3A_283, %ne3A_281 : i1
        %or3A_285 = arith.ori %or3A_284, %eq3A_197 : i1
        %convert_element_type3A_286 = arith.extui %or3A_285 : i1 to i32
        %cond3A_287 = arith.constant 0 : i32
        %cond3A_288 = arith.cmpi ne, %convert_element_type3A_286, %cond3A_287 : i32
        scf.if %cond3A_288 {
          "tpu.trace_start"() <{level = 10 : i32, message = "ep_wait_in"}> : () -> ()
          %mul3A_388 = arith.constant 1 : i32
          %mul3A_389 = arith.muli %mul3A_388, %add3A_201 : i32
          %mul3A_390 = arith.constant 128 : i32
          %mul3A_391 = arith.muli %mul3A_390, %add3A_202 : i32
          %rem3A_392 = arith.constant 2 : i32
          %rem3A_393 = arith.remui %scan3A_191, %rem3A_392 : i32
          %dma_wait3A_394 = arith.constant 0 : i32
          %dma_wait3A_395 = arith.constant 0 : i32
          %dma_wait3A_396 = tpu.memref_slice %run_scoped3A[%rem3A_393, %dma_wait3A_394, %dma_wait3A_395] : memref<2x1x128xi32, #tpu.memory_space<vmem>> -> memref<1x1x128xi32, #tpu.memory_space<vmem>>
          %dma_wait3A_397 = tpu.memref_squeeze %dma_wait3A_396 : memref<1x1x128xi32, #tpu.memory_space<vmem>> -> memref<1x128xi32, #tpu.memory_space<vmem>>
          %dma_wait3A_398 = tpu.memref_slice %arg3[%mul3A_389, %mul3A_391] : memref<2x8192xi32, #tpu.memory_space<hbm>> -> memref<1x128xi32, #tpu.memory_space<hbm>>
          %dma_wait3A_399 = tpu.memref_slice %run_scoped3A_7[%rem3A_393] : memref<2x!tpu.dma_semaphore, #tpu.memory_space<semaphore_mem>> -> memref<1x!tpu.dma_semaphore, #tpu.memory_space<semaphore_mem>>
          %dma_wait3A_400 = tpu.memref_squeeze %dma_wait3A_399 : memref<1x!tpu.dma_semaphore, #tpu.memory_space<semaphore_mem>> -> memref<!tpu.dma_semaphore, #tpu.memory_space<semaphore_mem>>
          %dma_wait3A_401 = arith.constant 0 : i32
          %dma_wait3A_402 = arith.constant 0 : i32
          %dma_wait3A_403 = tpu.memref_slice %run_scoped3A[%rem3A_393, %dma_wait3A_401, %dma_wait3A_402] : memref<2x1x128xi32, #tpu.memory_space<vmem>> -> memref<1x1x128xi32, #tpu.memory_space<vmem>>
          %dma_wait3A_404 = tpu.memref_squeeze %dma_wait3A_403 : memref<1x1x128xi32, #tpu.memory_space<vmem>> -> memref<1x128xi32, #tpu.memory_space<vmem>>
          %dma_wait3A_405 = tpu.memref_slice %arg3[%mul3A_389, %mul3A_391] : memref<2x8192xi32, #tpu.memory_space<hbm>> -> memref<1x128xi32, #tpu.memory_space<hbm>>
          tpu.wait_dma2 semaphore(%dma_wait3A_400 : memref<!tpu.dma_semaphore, #tpu.memory_space<semaphore_mem>>) src(%dma_wait3A_405 : memref<1x128xi32, #tpu.memory_space<hbm>>) dst(%dma_wait3A_404 : memref<1x128xi32, #tpu.memory_space<vmem>>)
          "tpu.trace_stop"() : () -> ()
        } else {
        }
        %ne3A_289 = arith.cmpi ne, %add3A_201, %add3A_219 : i32
        %ne3A_290 = arith.cmpi ne, %add3A_202, %add3A_220 : i32
        %or3A_291 = arith.constant false
        %or3A_292 = arith.ori %or3A_291, %ne3A_289 : i1
        %or3A_293 = arith.ori %or3A_292, %ne3A_290 : i1
        %or3A_294 = arith.constant false
        %or3A_295 = arith.ori %or3A_293, %or3A_294 : i1
        %or3A_296 = arith.ori %or3A_295, %eq3A_197 : i1
        %convert_element_type3A_297 = arith.extui %or3A_296 : i1 to i32
        %cond3A_298 = arith.constant 0 : i32
        %cond3A_299 = arith.cmpi ne, %convert_element_type3A_297, %cond3A_298 : i32
        scf.if %cond3A_299 {
        } else {
        }
        %rem3A_300 = arith.constant 2 : i32
        %rem3A_301 = arith.remui %scan3A_191, %rem3A_300 : i32
        %rem3A_302 = arith.constant 2 : i32
        %rem3A_303 = arith.remui %scan3A_192, %rem3A_302 : i32
        %run_scoped3A_304 = arith.constant 0 : i32
        %run_scoped3A_305 = arith.constant 0 : i32
        "tpu.trace_start"() <{level = 10 : i32, message = "ep_run_kernel"}> : () -> ()
        "tpu.region"() ({
          %run_scoped3A_388 = tpu.sem_alloc : memref<!tpu.dma_semaphore, #tpu.memory_space<semaphore_mem>>
          %dma_start3A_389 = arith.constant 0 : i32
          %dma_start3A_390 = arith.constant 0 : i32
          %dma_start3A_391 = arith.constant 0 : i32
          %dma_start3A_392 = tpu.memref_slice %run_scoped3A_8[%rem3A_303, %dma_start3A_389, %dma_start3A_390, %dma_start3A_391] : memref<2x1x128x384xf32, #tpu.memory_space<vmem>> -> memref<1x1x128x384xf32, #tpu.memory_space<vmem>>
          %dma_start3A_393 = tpu.memref_squeeze %dma_start3A_392 : memref<1x1x128x384xf32, #tpu.memory_space<vmem>> -> memref<1x128x384xf32, #tpu.memory_space<vmem>>
          %dma_start3A_394 = arith.constant 0 : i32
          %dma_start3A_395 = arith.constant 0 : i32
          %dma_start3A_396 = tpu.memref_slice %dma_start3A_393[%run_scoped3A_305, %dma_start3A_394, %dma_start3A_395] : memref<1x128x384xf32, #tpu.memory_space<vmem>> -> memref<1x128x384xf32, #tpu.memory_space<vmem>>
          %dma_start3A_397 = tpu.memref_squeeze %dma_start3A_396 : memref<1x128x384xf32, #tpu.memory_space<vmem>> -> memref<128x384xf32, #tpu.memory_space<vmem>>
          %dma_start3A_398 = arith.constant 0 : i32
          %dma_start3A_399 = arith.constant 0 : i32
          %dma_start3A_400 = tpu.memref_slice %run_scoped3A[%rem3A_301, %dma_start3A_398, %dma_start3A_399] : memref<2x1x128xi32, #tpu.memory_space<vmem>> -> memref<1x1x128xi32, #tpu.memory_space<vmem>>
          %dma_start3A_401 = tpu.memref_squeeze %dma_start3A_400 : memref<1x1x128xi32, #tpu.memory_space<vmem>> -> memref<1x128xi32, #tpu.memory_space<vmem>>
          %dma_start3A_402 = arith.constant 0 : i32
          %dma_start3A_403 = tpu.memref_slice %dma_start3A_401[%run_scoped3A_304, %dma_start3A_402] : memref<1x128xi32, #tpu.memory_space<vmem>> -> memref<1x128xi32, #tpu.memory_space<vmem>>
          %dma_start3A_404 = tpu.memref_squeeze %dma_start3A_403 : memref<1x128xi32, #tpu.memory_space<vmem>> -> memref<128xi32, #tpu.memory_space<vmem>>
          %dma_start3A_405 = arith.constant 0 : i32
          %dma_start3A_406 = arith.constant 0 : i32
          %dma_start3A_407 = tpu.memref_slice %arg2[%dma_start3A_405, %dma_start3A_406] : memref<20480x384xf32, #tpu.memory_space<hbm>> -> memref<20480x384xf32, #tpu.memory_space<hbm>>
          tpu.enqueue_indirect_dma source(%dma_start3A_407 : memref<20480x384xf32, #tpu.memory_space<hbm>>) target(%dma_start3A_397 : memref<128x384xf32, #tpu.memory_space<vmem>>) offsets(%dma_start3A_404 : memref<128xi32, #tpu.memory_space<vmem>>) semaphore(%run_scoped3A_388 : memref<!tpu.dma_semaphore, #tpu.memory_space<semaphore_mem>>)
          %dma_wait3A_408 = arith.constant 0 : i32
          %dma_wait3A_409 = arith.constant 0 : i32
          %dma_wait3A_410 = arith.constant 0 : i32
          %dma_wait3A_411 = tpu.memref_slice %run_scoped3A_8[%rem3A_303, %dma_wait3A_408, %dma_wait3A_409, %dma_wait3A_410] : memref<2x1x128x384xf32, #tpu.memory_space<vmem>> -> memref<1x1x128x384xf32, #tpu.memory_space<vmem>>
          %dma_wait3A_412 = tpu.memref_squeeze %dma_wait3A_411 : memref<1x1x128x384xf32, #tpu.memory_space<vmem>> -> memref<1x128x384xf32, #tpu.memory_space<vmem>>
          %dma_wait3A_413 = arith.constant 0 : i32
          %dma_wait3A_414 = arith.constant 0 : i32
          %dma_wait3A_415 = tpu.memref_slice %dma_wait3A_412[%run_scoped3A_305, %dma_wait3A_413, %dma_wait3A_414] : memref<1x128x384xf32, #tpu.memory_space<vmem>> -> memref<1x128x384xf32, #tpu.memory_space<vmem>>
          %dma_wait3A_416 = tpu.memref_squeeze %dma_wait3A_415 : memref<1x128x384xf32, #tpu.memory_space<vmem>> -> memref<128x384xf32, #tpu.memory_space<vmem>>
          %dma_wait3A_417 = arith.constant 0 : i32
          %dma_wait3A_418 = arith.constant 0 : i32
          %dma_wait3A_419 = tpu.memref_slice %run_scoped3A[%rem3A_301, %dma_wait3A_417, %dma_wait3A_418] : memref<2x1x128xi32, #tpu.memory_space<vmem>> -> memref<1x1x128xi32, #tpu.memory_space<vmem>>
          %dma_wait3A_420 = tpu.memref_squeeze %dma_wait3A_419 : memref<1x1x128xi32, #tpu.memory_space<vmem>> -> memref<1x128xi32, #tpu.memory_space<vmem>>
          %dma_wait3A_421 = arith.constant 0 : i32
          %dma_wait3A_422 = tpu.memref_slice %dma_wait3A_420[%run_scoped3A_304, %dma_wait3A_421] : memref<1x128xi32, #tpu.memory_space<vmem>> -> memref<1x128xi32, #tpu.memory_space<vmem>>
          %dma_wait3A_423 = tpu.memref_squeeze %dma_wait3A_422 : memref<1x128xi32, #tpu.memory_space<vmem>> -> memref<128xi32, #tpu.memory_space<vmem>>
          %dma_wait3A_424 = arith.constant 0 : i32
          %dma_wait3A_425 = arith.constant 0 : i32
          %dma_wait3A_426 = tpu.memref_slice %arg2[%dma_wait3A_424, %dma_wait3A_425] : memref<20480x384xf32, #tpu.memory_space<hbm>> -> memref<20480x384xf32, #tpu.memory_space<hbm>>
          tpu.wait_indirect_dma semaphore(%run_scoped3A_388 : memref<!tpu.dma_semaphore, #tpu.memory_space<semaphore_mem>>) src(%dma_wait3A_426 : memref<20480x384xf32, #tpu.memory_space<hbm>>) dst(%dma_wait3A_416 : memref<128x384xf32, #tpu.memory_space<vmem>>)
          tpu.yield
        }) : () -> ()
        "tpu.trace_stop"() : () -> ()
        %ne3A_306 = arith.cmpi ne, %add3A_201, %add3A_237 : i32
        %ne3A_307 = arith.cmpi ne, %add3A_202, %add3A_238 : i32
        %or3A_308 = arith.constant false
        %or3A_309 = arith.ori %or3A_308, %ne3A_306 : i1
        %or3A_310 = arith.ori %or3A_309, %ne3A_307 : i1
        %or3A_311 = arith.ori %or3A_310, %eq3A_199 : i1
        %convert_element_type3A_312 = arith.extui %or3A_311 : i1 to i32
        %cond3A_313 = arith.constant 0 : i32
        %cond3A_314 = arith.cmpi ne, %convert_element_type3A_312, %cond3A_313 : i32
        scf.if %cond3A_314 {
        } else {
        }
        %and3A_315 = arith.constant false
        %and3A_316 = arith.andi %or3A_311, %and3A_315 : i1
        %ne3A_317 = arith.cmpi ne, %add3A_201, %add3A_237 : i32
        %ne3A_318 = arith.cmpi ne, %add3A_202, %add3A_238 : i32
        %or3A_319 = arith.constant false
        %or3A_320 = arith.ori %or3A_319, %ne3A_317 : i1
        %or3A_321 = arith.ori %or3A_320, %ne3A_318 : i1
        %or3A_322 = arith.constant false
        %or3A_323 = arith.ori %or3A_321, %or3A_322 : i1
        %or3A_324 = arith.ori %or3A_323, %eq3A_199 : i1
        %convert_element_type3A_325 = arith.extui %or3A_324 : i1 to i32
        %cond3A_326 = arith.constant 0 : i32
        %cond3A_327 = arith.cmpi ne, %convert_element_type3A_325, %cond3A_326 : i32
        scf.if %cond3A_327 {
          "tpu.trace_start"() <{level = 10 : i32, message = "ep_copy_out"}> : () -> ()
          %rem3A_388 = arith.constant 2 : i32
          %rem3A_389 = arith.remui %scan3A_192, %rem3A_388 : i32
          %mul3A_390 = arith.constant 1 : i32
          %mul3A_391 = arith.muli %mul3A_390, %add3A_201 : i32
          %mul3A_392 = arith.constant 128 : i32
          %mul3A_393 = arith.muli %mul3A_392, %add3A_202 : i32
          %dma_start3A_394 = arith.constant 0 : i32
          %dma_start3A_395 = arith.constant 0 : i32
          %dma_start3A_396 = arith.constant 0 : i32
          %dma_start3A_397 = tpu.memref_slice %run_scoped3A_8[%rem3A_389, %dma_start3A_394, %dma_start3A_395, %dma_start3A_396] : memref<2x1x128x384xf32, #tpu.memory_space<vmem>> -> memref<1x1x128x384xf32, #tpu.memory_space<vmem>>
          %dma_start3A_398 = tpu.memref_squeeze %dma_start3A_397 : memref<1x1x128x384xf32, #tpu.memory_space<vmem>> -> memref<1x128x384xf32, #tpu.memory_space<vmem>>
          %dma_start3A_399 = arith.constant 0 : i32
          %dma_start3A_400 = tpu.memref_slice %arg4[%mul3A_391, %mul3A_393, %dma_start3A_399] : memref<2x8192x384xf32, #tpu.memory_space<hbm>> -> memref<1x128x384xf32, #tpu.memory_space<hbm>>
          %dma_start3A_401 = tpu.memref_slice %run_scoped3A_9[%rem3A_389] : memref<2x!tpu.dma_semaphore, #tpu.memory_space<semaphore_mem>> -> memref<1x!tpu.dma_semaphore, #tpu.memory_space<semaphore_mem>>
          %dma_start3A_402 = tpu.memref_squeeze %dma_start3A_401 : memref<1x!tpu.dma_semaphore, #tpu.memory_space<semaphore_mem>> -> memref<!tpu.dma_semaphore, #tpu.memory_space<semaphore_mem>>
          %dma_start3A_403 = arith.constant 0 : i32
          %dma_start3A_404 = tpu.memref_slice %arg4[%mul3A_391, %mul3A_393, %dma_start3A_403] : memref<2x8192x384xf32, #tpu.memory_space<hbm>> -> memref<1x128x384xf32, #tpu.memory_space<hbm>>
          %dma_start3A_405 = arith.constant 0 : i32
          %dma_start3A_406 = arith.constant 0 : i32
          %dma_start3A_407 = arith.constant 0 : i32
          %dma_start3A_408 = tpu.memref_slice %run_scoped3A_8[%rem3A_389, %dma_start3A_405, %dma_start3A_406, %dma_start3A_407] : memref<2x1x128x384xf32, #tpu.memory_space<vmem>> -> memref<1x1x128x384xf32, #tpu.memory_space<vmem>>
          %dma_start3A_409 = tpu.memref_squeeze %dma_start3A_408 : memref<1x1x128x384xf32, #tpu.memory_space<vmem>> -> memref<1x128x384xf32, #tpu.memory_space<vmem>>
          tpu.enqueue_dma source(%dma_start3A_409 : memref<1x128x384xf32, #tpu.memory_space<vmem>>) target(%dma_start3A_404 : memref<1x128x384xf32, #tpu.memory_space<hbm>>) target_semaphore(%dma_start3A_402 : memref<!tpu.dma_semaphore, #tpu.memory_space<semaphore_mem>>)
          "tpu.trace_stop"() : () -> ()
        } else {
        }
        %and3A_328 = arith.constant true
        %and3A_329 = arith.andi %or3A_324, %and3A_328 : i1
        %add3A_330 = arith.constant 1 : i32
        %add3A_331 = arith.addi %scan3A_192, %add3A_330 : i32
        %select_n3A_332 = arith.select %and3A_329, %add3A_331, %scan3A_192 : i32
        %ne3A_333 = arith.cmpi ne, %add3A_201, %add3A_219 : i32
        %ne3A_334 = arith.cmpi ne, %add3A_202, %add3A_220 : i32
        %or3A_335 = arith.constant false
        %or3A_336 = arith.ori %or3A_335, %ne3A_333 : i1
        %or3A_337 = arith.ori %or3A_336, %ne3A_334 : i1
        %not3A_338 = arith.constant true
        %not3A_339 = arith.xori %eq3A_197, %not3A_338 : i1
        %and3A_340 = arith.andi %or3A_337, %not3A_339 : i1
        %convert_element_type3A_341 = arith.extui %and3A_340 : i1 to i32
        %cond3A_342 = arith.constant 0 : i32
        %cond3A_343 = arith.cmpi ne, %convert_element_type3A_341, %cond3A_342 : i32
        scf.if %cond3A_343 {
        } else {
        }
        %and3A_344 = arith.constant false
        %and3A_345 = arith.andi %and3A_340, %and3A_344 : i1
        %ne3A_346 = arith.cmpi ne, %add3A_201, %add3A_219 : i32
        %ne3A_347 = arith.cmpi ne, %add3A_202, %add3A_220 : i32
        %or3A_348 = arith.constant false
        %or3A_349 = arith.ori %or3A_348, %ne3A_346 : i1
        %or3A_350 = arith.ori %or3A_349, %ne3A_347 : i1
        %or3A_351 = arith.constant false
        %or3A_352 = arith.ori %or3A_350, %or3A_351 : i1
        %not3A_353 = arith.constant true
        %not3A_354 = arith.xori %eq3A_197, %not3A_353 : i1
        %and3A_355 = arith.andi %or3A_352, %not3A_354 : i1
        %convert_element_type3A_356 = arith.extui %and3A_355 : i1 to i32
        %cond3A_357 = arith.constant 0 : i32
        %cond3A_358 = arith.cmpi ne, %convert_element_type3A_356, %cond3A_357 : i32
        scf.if %cond3A_358 {
          "tpu.trace_start"() <{level = 10 : i32, message = "ep_wait_out"}> : () -> ()
          %rem3A_388 = arith.constant 2 : i32
          %rem3A_389 = arith.remui %scan3A_193, %rem3A_388 : i32
          %mul3A_390 = arith.constant 1 : i32
          %mul3A_391 = arith.muli %mul3A_390, %add3A_219 : i32
          %mul3A_392 = arith.constant 128 : i32
          %mul3A_393 = arith.muli %mul3A_392, %add3A_220 : i32
          %dma_wait3A_394 = arith.constant 0 : i32
          %dma_wait3A_395 = arith.constant 0 : i32
          %dma_wait3A_396 = arith.constant 0 : i32
          %dma_wait3A_397 = tpu.memref_slice %run_scoped3A_8[%rem3A_389, %dma_wait3A_394, %dma_wait3A_395, %dma_wait3A_396] : memref<2x1x128x384xf32, #tpu.memory_space<vmem>> -> memref<1x1x128x384xf32, #tpu.memory_space<vmem>>
          %dma_wait3A_398 = tpu.memref_squeeze %dma_wait3A_397 : memref<1x1x128x384xf32, #tpu.memory_space<vmem>> -> memref<1x128x384xf32, #tpu.memory_space<vmem>>
          %dma_wait3A_399 = arith.constant 0 : i32
          %dma_wait3A_400 = tpu.memref_slice %arg4[%mul3A_391, %mul3A_393, %dma_wait3A_399] : memref<2x8192x384xf32, #tpu.memory_space<hbm>> -> memref<1x128x384xf32, #tpu.memory_space<hbm>>
          %dma_wait3A_401 = tpu.memref_slice %run_scoped3A_9[%rem3A_389] : memref<2x!tpu.dma_semaphore, #tpu.memory_space<semaphore_mem>> -> memref<1x!tpu.dma_semaphore, #tpu.memory_space<semaphore_mem>>
          %dma_wait3A_402 = tpu.memref_squeeze %dma_wait3A_401 : memref<1x!tpu.dma_semaphore, #tpu.memory_space<semaphore_mem>> -> memref<!tpu.dma_semaphore, #tpu.memory_space<semaphore_mem>>
          %dma_wait3A_403 = arith.constant 0 : i32
          %dma_wait3A_404 = tpu.memref_slice %arg4[%mul3A_391, %mul3A_393, %dma_wait3A_403] : memref<2x8192x384xf32, #tpu.memory_space<hbm>> -> memref<1x128x384xf32, #tpu.memory_space<hbm>>
          %dma_wait3A_405 = arith.constant 0 : i32
          %dma_wait3A_406 = arith.constant 0 : i32
          %dma_wait3A_407 = arith.constant 0 : i32
          %dma_wait3A_408 = tpu.memref_slice %run_scoped3A_8[%rem3A_389, %dma_wait3A_405, %dma_wait3A_406, %dma_wait3A_407] : memref<2x1x128x384xf32, #tpu.memory_space<vmem>> -> memref<1x1x128x384xf32, #tpu.memory_space<vmem>>
          %dma_wait3A_409 = tpu.memref_squeeze %dma_wait3A_408 : memref<1x1x128x384xf32, #tpu.memory_space<vmem>> -> memref<1x128x384xf32, #tpu.memory_space<vmem>>
          tpu.wait_dma2 semaphore(%dma_wait3A_402 : memref<!tpu.dma_semaphore, #tpu.memory_space<semaphore_mem>>) src(%dma_wait3A_409 : memref<1x128x384xf32, #tpu.memory_space<vmem>>) dst(%dma_wait3A_404 : memref<1x128x384xf32, #tpu.memory_space<hbm>>)
          "tpu.trace_stop"() : () -> ()
        } else {
        }
        %and3A_359 = arith.constant true
        %and3A_360 = arith.andi %and3A_355, %and3A_359 : i1
        %add3A_361 = arith.constant 1 : i32
        %add3A_362 = arith.addi %scan3A_193, %add3A_361 : i32
        %select_n3A_363 = arith.select %and3A_360, %add3A_362, %scan3A_193 : i32
        %ne3A_364 = arith.cmpi ne, %add3A_201, %add3A_237 : i32
        %ne3A_365 = arith.cmpi ne, %add3A_202, %add3A_238 : i32
        %or3A_366 = arith.constant false
        %or3A_367 = arith.ori %or3A_366, %ne3A_364 : i1
        %or3A_368 = arith.ori %or3A_367, %ne3A_365 : i1
        %or3A_369 = arith.ori %or3A_368, %eq3A_199 : i1
        %add3A_370 = arith.constant 1 : i32
        %add3A_371 = arith.addi %scan3A_191, %add3A_370 : i32
        %select_n3A_372 = arith.select %or3A_369, %add3A_371, %scan3A_191 : i32
        %add3A_373 = arith.constant 1 : i32
        %add3A_374 = arith.addi %scan3A_195, %add3A_373 : i32
        %select_n3A_375 = arith.constant true
        %select_n3A_376 = arith.select %select_n3A_375, %add3A_374, %scan3A_195 : i32
        %eq3A_377 = arith.constant 2 : i32
        %eq3A_378 = arith.cmpi eq, %select_n3A_376, %eq3A_377 : i32
        %select_n3A_379 = arith.constant 0 : i32
        %select_n3A_380 = arith.select %eq3A_378, %select_n3A_379, %select_n3A_376 : i32
        %add3A_381 = arith.constant 1 : i32
        %add3A_382 = arith.addi %scan3A_194, %add3A_381 : i32
        %select_n3A_383 = arith.select %eq3A_378, %add3A_382, %scan3A_194 : i32
        %eq3A_384 = arith.constant 2 : i32
        %eq3A_385 = arith.cmpi eq, %select_n3A_383, %eq3A_384 : i32
        %select_n3A_386 = arith.constant 0 : i32
        %select_n3A_387 = arith.select %eq3A_385, %select_n3A_386, %select_n3A_383 : i32
        scf.yield %select_n3A_267, %select_n3A_372, %select_n3A_332, %select_n3A_363, %select_n3A_387, %select_n3A_380 : i32, i32, i32, i32, i32, i32
      }
      %scan3A_96 = arith.constant 4 : i32
      %sub3A = arith.constant 1 : i32
      %sub3A_97 = arith.subi %scan3A_95#5, %sub3A : i32
      %select_n3A_98 = arith.constant true
      %select_n3A_99 = arith.select %select_n3A_98, %sub3A_97, %scan3A_95#5 : i32
      %eq3A_100 = arith.constant -1 : i32
      %eq3A_101 = arith.cmpi eq, %select_n3A_99, %eq3A_100 : i32
      %select_n3A_102 = arith.constant 1 : i32
      %select_n3A_103 = arith.select %eq3A_101, %select_n3A_102, %select_n3A_99 : i32
      %sub3A_104 = arith.constant 1 : i32
      %sub3A_105 = arith.subi %scan3A_95#4, %sub3A_104 : i32
      %select_n3A_106 = arith.select %eq3A_101, %sub3A_105, %scan3A_95#4 : i32
      %eq3A_107 = arith.constant -1 : i32
      %eq3A_108 = arith.cmpi eq, %select_n3A_106, %eq3A_107 : i32
      %select_n3A_109 = arith.constant 1 : i32
      %select_n3A_110 = arith.select %eq3A_108, %select_n3A_109, %select_n3A_106 : i32
      %add3A_111 = arith.constant 0 : i32
      %add3A_112 = arith.addi %select_n3A_110, %add3A_111 : i32
      %add3A_113 = arith.addi %select_n3A_103, %mul3A_6 : i32
      %sub3A_114 = arith.constant 1 : i32
      %sub3A_115 = arith.subi %select_n3A_103, %sub3A_114 : i32
      %select_n3A_116 = arith.constant true
      %select_n3A_117 = arith.select %select_n3A_116, %sub3A_115, %select_n3A_103 : i32
      %eq3A_118 = arith.constant -1 : i32
      %eq3A_119 = arith.cmpi eq, %select_n3A_117, %eq3A_118 : i32
      %select_n3A_120 = arith.constant 1 : i32
      %select_n3A_121 = arith.select %eq3A_119, %select_n3A_120, %select_n3A_117 : i32
      %sub3A_122 = arith.constant 1 : i32
      %sub3A_123 = arith.subi %select_n3A_110, %sub3A_122 : i32
      %select_n3A_124 = arith.select %eq3A_119, %sub3A_123, %select_n3A_110 : i32
      %eq3A_125 = arith.constant -1 : i32
      %eq3A_126 = arith.cmpi eq, %select_n3A_124, %eq3A_125 : i32
      %select_n3A_127 = arith.constant 1 : i32
      %select_n3A_128 = arith.select %eq3A_126, %select_n3A_127, %select_n3A_124 : i32
      %add3A_129 = arith.constant 0 : i32
      %add3A_130 = arith.addi %select_n3A_128, %add3A_129 : i32
      %add3A_131 = arith.addi %select_n3A_121, %mul3A_6 : i32
      %add3A_132 = arith.constant 1 : i32
      %add3A_133 = arith.addi %select_n3A_103, %add3A_132 : i32
      %select_n3A_134 = arith.constant true
      %select_n3A_135 = arith.select %select_n3A_134, %add3A_133, %select_n3A_103 : i32
      %eq3A_136 = arith.constant 2 : i32
      %eq3A_137 = arith.cmpi eq, %select_n3A_135, %eq3A_136 : i32
      %select_n3A_138 = arith.constant 0 : i32
      %select_n3A_139 = arith.select %eq3A_137, %select_n3A_138, %select_n3A_135 : i32
      %add3A_140 = arith.constant 1 : i32
      %add3A_141 = arith.addi %select_n3A_110, %add3A_140 : i32
      %select_n3A_142 = arith.select %eq3A_137, %add3A_141, %select_n3A_110 : i32
      %eq3A_143 = arith.constant 2 : i32
      %eq3A_144 = arith.cmpi eq, %select_n3A_142, %eq3A_143 : i32
      %select_n3A_145 = arith.constant 0 : i32
      %select_n3A_146 = arith.select %eq3A_144, %select_n3A_145, %select_n3A_142 : i32
      %add3A_147 = arith.constant 0 : i32
      %add3A_148 = arith.addi %select_n3A_146, %add3A_147 : i32
      %add3A_149 = arith.addi %select_n3A_139, %mul3A_6 : i32
      %add3A_150 = arith.constant 1 : i32
      %add3A_151 = arith.addi %select_n3A_139, %add3A_150 : i32
      %select_n3A_152 = arith.constant true
      %select_n3A_153 = arith.select %select_n3A_152, %add3A_151, %select_n3A_139 : i32
      %eq3A_154 = arith.constant 2 : i32
      %eq3A_155 = arith.cmpi eq, %select_n3A_153, %eq3A_154 : i32
      %select_n3A_156 = arith.constant 0 : i32
      %select_n3A_157 = arith.select %eq3A_155, %select_n3A_156, %select_n3A_153 : i32
      %add3A_158 = arith.constant 1 : i32
      %add3A_159 = arith.addi %select_n3A_146, %add3A_158 : i32
      %select_n3A_160 = arith.select %eq3A_155, %add3A_159, %select_n3A_146 : i32
      %eq3A_161 = arith.constant 2 : i32
      %eq3A_162 = arith.cmpi eq, %select_n3A_160, %eq3A_161 : i32
      %select_n3A_163 = arith.constant 0 : i32
      %select_n3A_164 = arith.select %eq3A_162, %select_n3A_163, %select_n3A_160 : i32
      %add3A_165 = arith.constant 0 : i32
      %add3A_166 = arith.addi %select_n3A_164, %add3A_165 : i32
      %add3A_167 = arith.addi %select_n3A_157, %mul3A_6 : i32
      "tpu.trace_start"() <{level = 10 : i32, message = "ep_finalize"}> : () -> ()
      %rem3A_168 = arith.constant 2 : i32
      %rem3A_169 = arith.remui %scan3A_95#3, %rem3A_168 : i32
      %mul3A_170 = arith.constant 1 : i32
      %mul3A_171 = arith.muli %mul3A_170, %add3A_112 : i32
      %mul3A_172 = arith.constant 128 : i32
      %mul3A_173 = arith.muli %mul3A_172, %add3A_113 : i32
      %dma_wait3A = arith.constant 0 : i32
      %dma_wait3A_174 = arith.constant 0 : i32
      %dma_wait3A_175 = arith.constant 0 : i32
      %dma_wait3A_176 = tpu.memref_slice %run_scoped3A_8[%rem3A_169, %dma_wait3A, %dma_wait3A_174, %dma_wait3A_175] : memref<2x1x128x384xf32, #tpu.memory_space<vmem>> -> memref<1x1x128x384xf32, #tpu.memory_space<vmem>>
      %dma_wait3A_177 = tpu.memref_squeeze %dma_wait3A_176 : memref<1x1x128x384xf32, #tpu.memory_space<vmem>> -> memref<1x128x384xf32, #tpu.memory_space<vmem>>
      %dma_wait3A_178 = arith.constant 0 : i32
      %dma_wait3A_179 = tpu.memref_slice %arg4[%mul3A_171, %mul3A_173, %dma_wait3A_178] : memref<2x8192x384xf32, #tpu.memory_space<hbm>> -> memref<1x128x384xf32, #tpu.memory_space<hbm>>
      %dma_wait3A_180 = tpu.memref_slice %run_scoped3A_9[%rem3A_169] : memref<2x!tpu.dma_semaphore, #tpu.memory_space<semaphore_mem>> -> memref<1x!tpu.dma_semaphore, #tpu.memory_space<semaphore_mem>>
      %dma_wait3A_181 = tpu.memref_squeeze %dma_wait3A_180 : memref<1x!tpu.dma_semaphore, #tpu.memory_space<semaphore_mem>> -> memref<!tpu.dma_semaphore, #tpu.memory_space<semaphore_mem>>
      %dma_wait3A_182 = arith.constant 0 : i32
      %dma_wait3A_183 = tpu.memref_slice %arg4[%mul3A_171, %mul3A_173, %dma_wait3A_182] : memref<2x8192x384xf32, #tpu.memory_space<hbm>> -> memref<1x128x384xf32, #tpu.memory_space<hbm>>
      %dma_wait3A_184 = arith.constant 0 : i32
      %dma_wait3A_185 = arith.constant 0 : i32
      %dma_wait3A_186 = arith.constant 0 : i32
      %dma_wait3A_187 = tpu.memref_slice %run_scoped3A_8[%rem3A_169, %dma_wait3A_184, %dma_wait3A_185, %dma_wait3A_186] : memref<2x1x128x384xf32, #tpu.memory_space<vmem>> -> memref<1x1x128x384xf32, #tpu.memory_space<vmem>>
      %dma_wait3A_188 = tpu.memref_squeeze %dma_wait3A_187 : memref<1x1x128x384xf32, #tpu.memory_space<vmem>> -> memref<1x128x384xf32, #tpu.memory_space<vmem>>
      tpu.wait_dma2 semaphore(%dma_wait3A_181 : memref<!tpu.dma_semaphore, #tpu.memory_space<semaphore_mem>>) src(%dma_wait3A_188 : memref<1x128x384xf32, #tpu.memory_space<vmem>>) dst(%dma_wait3A_183 : memref<1x128x384xf32, #tpu.memory_space<hbm>>)
      "tpu.trace_stop"() : () -> ()
      tpu.yield
    }) : () -> ()
    return
  }
}

#map = affine_map<(d0, d1) -> (0, 0, 0)>
#map1 = affine_map<(d0, d1) -> (0, 0)>
module attributes {stable_mosaic.version = 14 : i64} {
  func.func @k(%arg0: i32, %arg1: i32, %arg2: memref<2x4096x384xf32, #tpu.memory_space<hbm>>, %arg3: memref<4x4096xi32, #tpu.memory_space<hbm>>, %arg4: memref<20480x384xf32, #tpu.memory_space<hbm>>) attributes {dimension_semantics = [#tpu.dimension_semantics<core_parallel>, #tpu.dimension_semantics<subcore_parallel>], iteration_bounds = array<i64: 2, 16>, scalar_prefetch = 0 : i64, scratch_operands = 0 : i64, tpu.core_type = #tpu.core_type<sc_vector_subcore>, window_params = [{transform_indices = #map}, {transform_indices = #map1}, {transform_indices = #map1}]} {
    %mul3A = arith.constant 1 : i32
    %mul3A_0 = arith.muli %arg1, %mul3A : i32
    %add3A = arith.constant 0 : i32
    %add3A_1 = arith.addi %add3A, %mul3A_0 : i32
    %mul3A_2 = arith.constant 16 : i32
    %mul3A_3 = arith.muli %arg0, %mul3A_2 : i32
    %add3A_4 = arith.addi %add3A_1, %mul3A_3 : i32
    %mul3A_5 = arith.constant 1 : i32
    %mul3A_6 = arith.muli %add3A_4, %mul3A_5 : i32
    "tpu.region"() ({
      %run_scoped3A = memref.alloca() : memref<2x1x128x384xf32, #tpu.memory_space<vmem>>
      %run_scoped3A_7 = tpu.sem_alloc : memref<2x!tpu.dma_semaphore, #tpu.memory_space<semaphore_mem>>
      %run_scoped3A_8 = memref.alloca() : memref<2x1x128xi32, #tpu.memory_space<vmem>>
      %run_scoped3A_9 = tpu.sem_alloc : memref<2x!tpu.dma_semaphore, #tpu.memory_space<semaphore_mem>>
      %add3A_10 = arith.constant 0 : i32
      %add3A_11 = arith.addi %add3A_10, %mul3A_6 : i32
      %select_n3A = arith.constant true
      %select_n3A_12 = arith.constant 0 : i32
      %select_n3A_13 = arith.constant -1 : i32
      %select_n3A_14 = arith.select %select_n3A, %select_n3A_13, %select_n3A_12 : i32
      %eq3A = arith.constant -1 : i32
      %eq3A_15 = arith.cmpi eq, %select_n3A_14, %eq3A : i32
      %select_n3A_16 = arith.constant 0 : i32
      %select_n3A_17 = arith.select %eq3A_15, %select_n3A_16, %select_n3A_14 : i32
      %select_n3A_18 = arith.constant 0 : i32
      %select_n3A_19 = arith.constant -1 : i32
      %select_n3A_20 = arith.select %eq3A_15, %select_n3A_19, %select_n3A_18 : i32
      %eq3A_21 = arith.constant -1 : i32
      %eq3A_22 = arith.cmpi eq, %select_n3A_20, %eq3A_21 : i32
      %select_n3A_23 = arith.constant 1 : i32
      %select_n3A_24 = arith.select %eq3A_22, %select_n3A_23, %select_n3A_20 : i32
      %select_n3A_25 = arith.constant 0 : i32
      %select_n3A_26 = arith.constant -1 : i32
      %select_n3A_27 = arith.select %eq3A_22, %select_n3A_26, %select_n3A_25 : i32
      %eq3A_28 = arith.constant -1 : i32
      %eq3A_29 = arith.cmpi eq, %select_n3A_27, %eq3A_28 : i32
      %select_n3A_30 = arith.constant 1 : i32
      %select_n3A_31 = arith.select %eq3A_29, %select_n3A_30, %select_n3A_27 : i32
      %add3A_32 = arith.constant 0 : i32
      %add3A_33 = arith.addi %select_n3A_31, %add3A_32 : i32
      %add3A_34 = arith.constant 0 : i32
      %add3A_35 = arith.addi %select_n3A_24, %add3A_34 : i32
      %add3A_36 = arith.constant 0 : i32
      %add3A_37 = arith.addi %add3A_36, %mul3A_6 : i32
      %select_n3A_38 = arith.constant true
      %select_n3A_39 = arith.constant 0 : i32
      %select_n3A_40 = arith.constant 1 : i32
      %select_n3A_41 = arith.select %select_n3A_38, %select_n3A_40, %select_n3A_39 : i32
      %eq3A_42 = arith.constant 1 : i32
      %eq3A_43 = arith.cmpi eq, %select_n3A_41, %eq3A_42 : i32
      %select_n3A_44 = arith.constant 0 : i32
      %select_n3A_45 = arith.select %eq3A_43, %select_n3A_44, %select_n3A_41 : i32
      %select_n3A_46 = arith.constant 0 : i32
      %select_n3A_47 = arith.constant 1 : i32
      %select_n3A_48 = arith.select %eq3A_43, %select_n3A_47, %select_n3A_46 : i32
      %eq3A_49 = arith.constant 2 : i32
      %eq3A_50 = arith.cmpi eq, %select_n3A_48, %eq3A_49 : i32
      %select_n3A_51 = arith.constant 0 : i32
      %select_n3A_52 = arith.select %eq3A_50, %select_n3A_51, %select_n3A_48 : i32
      %select_n3A_53 = arith.constant 0 : i32
      %select_n3A_54 = arith.constant 1 : i32
      %select_n3A_55 = arith.select %eq3A_50, %select_n3A_54, %select_n3A_53 : i32
      %eq3A_56 = arith.constant 2 : i32
      %eq3A_57 = arith.cmpi eq, %select_n3A_55, %eq3A_56 : i32
      %select_n3A_58 = arith.constant 0 : i32
      %select_n3A_59 = arith.select %eq3A_57, %select_n3A_58, %select_n3A_55 : i32
      %add3A_60 = arith.constant 0 : i32
      %add3A_61 = arith.addi %select_n3A_59, %add3A_60 : i32
      %add3A_62 = arith.constant 0 : i32
      %add3A_63 = arith.addi %select_n3A_52, %add3A_62 : i32
      %add3A_64 = arith.constant 0 : i32
      %add3A_65 = arith.addi %add3A_64, %mul3A_6 : i32
      %select_n3A_66 = arith.constant true
      %select_n3A_67 = arith.constant 0 : i32
      %select_n3A_68 = arith.constant 1 : i32
      %select_n3A_69 = arith.select %select_n3A_66, %select_n3A_68, %select_n3A_67 : i32
      %eq3A_70 = arith.constant 1 : i32
      %eq3A_71 = arith.cmpi eq, %select_n3A_69, %eq3A_70 : i32
      %select_n3A_72 = arith.constant 0 : i32
      %select_n3A_73 = arith.select %eq3A_71, %select_n3A_72, %select_n3A_69 : i32
      %add3A_74 = arith.constant 1 : i32
      %add3A_75 = arith.addi %select_n3A_52, %add3A_74 : i32
      %select_n3A_76 = arith.select %eq3A_71, %add3A_75, %select_n3A_52 : i32
      %eq3A_77 = arith.constant 2 : i32
      %eq3A_78 = arith.cmpi eq, %select_n3A_76, %eq3A_77 : i32
      %select_n3A_79 = arith.constant 0 : i32
      %select_n3A_80 = arith.select %eq3A_78, %select_n3A_79, %select_n3A_76 : i32
      %add3A_81 = arith.constant 1 : i32
      %add3A_82 = arith.addi %select_n3A_59, %add3A_81 : i32
      %select_n3A_83 = arith.select %eq3A_78, %add3A_82, %select_n3A_59 : i32
      %eq3A_84 = arith.constant 2 : i32
      %eq3A_85 = arith.cmpi eq, %select_n3A_83, %eq3A_84 : i32
      %select_n3A_86 = arith.constant 0 : i32
      %select_n3A_87 = arith.select %eq3A_85, %select_n3A_86, %select_n3A_83 : i32
      %add3A_88 = arith.constant 0 : i32
      %add3A_89 = arith.addi %select_n3A_87, %add3A_88 : i32
      %add3A_90 = arith.constant 0 : i32
      %add3A_91 = arith.addi %select_n3A_80, %add3A_90 : i32
      %add3A_92 = arith.constant 0 : i32
      %add3A_93 = arith.addi %add3A_92, %mul3A_6 : i32
      "tpu.trace_start"() <{level = 10 : i32, message = "ep_initialize_0"}> : () -> ()
      %rem3A = arith.constant 0 : i32
      %rem3A_94 = arith.constant 2 : i32
      %rem3A_95 = arith.remui %rem3A, %rem3A_94 : i32
      %mul3A_96 = arith.constant 128 : i32
      %mul3A_97 = arith.muli %mul3A_96, %add3A_11 : i32
      %dma_start3A = arith.constant 0 : i32
      %dma_start3A_98 = arith.constant 0 : i32
      %dma_start3A_99 = arith.constant 0 : i32
      %dma_start3A_100 = tpu.memref_slice %run_scoped3A[%rem3A_95, %dma_start3A, %dma_start3A_98, %dma_start3A_99] : memref<2x1x128x384xf32, #tpu.memory_space<vmem>> -> memref<1x1x128x384xf32, #tpu.memory_space<vmem>>
      %dma_start3A_101 = tpu.memref_squeeze %dma_start3A_100 : memref<1x1x128x384xf32, #tpu.memory_space<vmem>> -> memref<1x128x384xf32, #tpu.memory_space<vmem>>
      %dma_start3A_102 = arith.constant 0 : i32
      %dma_start3A_103 = arith.constant 0 : i32
      %dma_start3A_104 = tpu.memref_slice %arg2[%dma_start3A_102, %mul3A_97, %dma_start3A_103] : memref<2x4096x384xf32, #tpu.memory_space<hbm>> -> memref<1x128x384xf32, #tpu.memory_space<hbm>>
      %dma_start3A_105 = tpu.memref_slice %run_scoped3A_7[%rem3A_95] : memref<2x!tpu.dma_semaphore, #tpu.memory_space<semaphore_mem>> -> memref<1x!tpu.dma_semaphore, #tpu.memory_space<semaphore_mem>>
      %dma_start3A_106 = tpu.memref_squeeze %dma_start3A_105 : memref<1x!tpu.dma_semaphore, #tpu.memory_space<semaphore_mem>> -> memref<!tpu.dma_semaphore, #tpu.memory_space<semaphore_mem>>
      %dma_start3A_107 = arith.constant 0 : i32
      %dma_start3A_108 = arith.constant 0 : i32
      %dma_start3A_109 = arith.constant 0 : i32
      %dma_start3A_110 = tpu.memref_slice %run_scoped3A[%rem3A_95, %dma_start3A_107, %dma_start3A_108, %dma_start3A_109] : memref<2x1x128x384xf32, #tpu.memory_space<vmem>> -> memref<1x1x128x384xf32, #tpu.memory_space<vmem>>
      %dma_start3A_111 = tpu.memref_squeeze %dma_start3A_110 : memref<1x1x128x384xf32, #tpu.memory_space<vmem>> -> memref<1x128x384xf32, #tpu.memory_space<vmem>>
      %dma_start3A_112 = arith.constant 0 : i32
      %dma_start3A_113 = arith.constant 0 : i32
      %dma_start3A_114 = tpu.memref_slice %arg2[%dma_start3A_112, %mul3A_97, %dma_start3A_113] : memref<2x4096x384xf32, #tpu.memory_space<hbm>> -> memref<1x128x384xf32, #tpu.memory_space<hbm>>
      tpu.enqueue_dma source(%dma_start3A_114 : memref<1x128x384xf32, #tpu.memory_space<hbm>>) target(%dma_start3A_111 : memref<1x128x384xf32, #tpu.memory_space<vmem>>) target_semaphore(%dma_start3A_106 : memref<!tpu.dma_semaphore, #tpu.memory_space<semaphore_mem>>)
      %add3A_115 = arith.constant 0 : i32
      %add3A_116 = arith.constant 1 : i32
      %add3A_117 = arith.addi %add3A_115, %add3A_116 : i32
      %select_n3A_118 = arith.constant true
      %select_n3A_119 = arith.constant 0 : i32
      %select_n3A_120 = arith.select %select_n3A_118, %add3A_117, %select_n3A_119 : i32
      %rem3A_121 = arith.constant 0 : i32
      %rem3A_122 = arith.constant 2 : i32
      %rem3A_123 = arith.remui %rem3A_121, %rem3A_122 : i32
      %mul3A_124 = arith.constant 128 : i32
      %mul3A_125 = arith.muli %mul3A_124, %add3A_11 : i32
      %dma_start3A_126 = arith.constant 0 : i32
      %dma_start3A_127 = arith.constant 0 : i32
      %dma_start3A_128 = tpu.memref_slice %run_scoped3A_8[%rem3A_123, %dma_start3A_126, %dma_start3A_127] : memref<2x1x128xi32, #tpu.memory_space<vmem>> -> memref<1x1x128xi32, #tpu.memory_space<vmem>>
      %dma_start3A_129 = tpu.memref_squeeze %dma_start3A_128 : memref<1x1x128xi32, #tpu.memory_space<vmem>> -> memref<1x128xi32, #tpu.memory_space<vmem>>
      %dma_start3A_130 = arith.constant 0 : i32
      %dma_start3A_131 = tpu.memref_slice %arg3[%dma_start3A_130, %mul3A_125] : memref<4x4096xi32, #tpu.memory_space<hbm>> -> memref<1x128xi32, #tpu.memory_space<hbm>>
      %dma_start3A_132 = tpu.memref_slice %run_scoped3A_9[%rem3A_123] : memref<2x!tpu.dma_semaphore, #tpu.memory_space<semaphore_mem>> -> memref<1x!tpu.dma_semaphore, #tpu.memory_space<semaphore_mem>>
      %dma_start3A_133 = tpu.memref_squeeze %dma_start3A_132 : memref<1x!tpu.dma_semaphore, #tpu.memory_space<semaphore_mem>> -> memref<!tpu.dma_semaphore, #tpu.memory_space<semaphore_mem>>
      %dma_start3A_134 = arith.constant 0 : i32
      %dma_start3A_135 = arith.constant 0 : i32
      %dma_start3A_136 = tpu.memref_slice %run_scoped3A_8[%rem3A_123, %dma_start3A_134, %dma_start3A_135] : memref<2x1x128xi32, #tpu.memory_space<vmem>> -> memref<1x1x128xi32, #tpu.memory_space<vmem>>
      %dma_start3A_137 = tpu.memref_squeeze %dma_start3A_136 : memref<1x1x128xi32, #tpu.memory_space<vmem>> -> memref<1x128xi32, #tpu.memory_space<vmem>>
      %dma_start3A_138 = arith.constant 0 : i32
      %dma_start3A_139 = tpu.memref_slice %arg3[%dma_start3A_138, %mul3A_125] : memref<4x4096xi32, #tpu.memory_space<hbm>> -> memref<1x128xi32, #tpu.memory_space<hbm>>
      tpu.enqueue_dma source(%dma_start3A_139 : memref<1x128xi32, #tpu.memory_space<hbm>>) target(%dma_start3A_137 : memref<1x128xi32, #tpu.memory_space<vmem>>) target_semaphore(%dma_start3A_133 : memref<!tpu.dma_semaphore, #tpu.memory_space<semaphore_mem>>)
      %add3A_140 = arith.constant 0 : i32
      %add3A_141 = arith.constant 1 : i32
      %add3A_142 = arith.addi %add3A_140, %add3A_141 : i32
      %select_n3A_143 = arith.constant true
      %select_n3A_144 = arith.constant 0 : i32
      %select_n3A_145 = arith.select %select_n3A_143, %add3A_142, %select_n3A_144 : i32
      "tpu.trace_stop"() : () -> ()
      %scan3A = arith.constant 0 : i32
      %scan3A_146 = arith.constant 0 : i32
      %scan3A_147 = arith.constant 0 : i32
      %scan3A_148 = arith.constant 0 : i32
      %scan3A_149 = arith.constant 0 : i32
      %scan3A_150 = arith.constant 0 : i32
      %scan3A_151 = arith.constant 4 : i32
      %scan3A_152 = arith.addi %scan3A_150, %scan3A_151 : i32
      %scan3A_153 = arith.constant 1 : i32
      %scan3A_154:7 = scf.for %scan3A_267 = %scan3A_150 to %scan3A_152 step %scan3A_153 iter_args(%scan3A_268 = %select_n3A_120, %scan3A_269 = %scan3A, %scan3A_270 = %select_n3A_145, %scan3A_271 = %scan3A_146, %scan3A_272 = %scan3A_147, %scan3A_273 = %scan3A_148, %scan3A_274 = %scan3A_149) -> (i32, i32, i32, i32, i32, i32, i32)  : i32 {
        %eq3A_275 = arith.constant 0 : i32
        %eq3A_276 = arith.cmpi eq, %scan3A_267, %eq3A_275 : i32
        %eq3A_277 = arith.constant 3 : i32
        %eq3A_278 = arith.cmpi eq, %scan3A_267, %eq3A_277 : i32
        %add3A_279 = arith.constant 0 : i32
        %add3A_280 = arith.addi %scan3A_272, %add3A_279 : i32
        %add3A_281 = arith.constant 0 : i32
        %add3A_282 = arith.addi %scan3A_273, %add3A_281 : i32
        %add3A_283 = arith.constant 0 : i32
        %add3A_284 = arith.addi %add3A_283, %mul3A_6 : i32
        %select_n3A_285 = arith.constant true
        %select_n3A_286 = arith.constant 0 : i32
        %select_n3A_287 = arith.constant -1 : i32
        %select_n3A_288 = arith.select %select_n3A_285, %select_n3A_287, %select_n3A_286 : i32
        %eq3A_289 = arith.constant -1 : i32
        %eq3A_290 = arith.cmpi eq, %select_n3A_288, %eq3A_289 : i32
        %select_n3A_291 = arith.constant 0 : i32
        %select_n3A_292 = arith.select %eq3A_290, %select_n3A_291, %select_n3A_288 : i32
        %sub3A_293 = arith.constant 1 : i32
        %sub3A_294 = arith.subi %scan3A_273, %sub3A_293 : i32
        %select_n3A_295 = arith.select %eq3A_290, %sub3A_294, %scan3A_273 : i32
        %eq3A_296 = arith.constant -1 : i32
        %eq3A_297 = arith.cmpi eq, %select_n3A_295, %eq3A_296 : i32
        %select_n3A_298 = arith.constant 1 : i32
        %select_n3A_299 = arith.select %eq3A_297, %select_n3A_298, %select_n3A_295 : i32
        %sub3A_300 = arith.constant 1 : i32
        %sub3A_301 = arith.subi %scan3A_272, %sub3A_300 : i32
        %select_n3A_302 = arith.select %eq3A_297, %sub3A_301, %scan3A_272 : i32
        %eq3A_303 = arith.constant -1 : i32
        %eq3A_304 = arith.cmpi eq, %select_n3A_302, %eq3A_303 : i32
        %select_n3A_305 = arith.constant 1 : i32
        %select_n3A_306 = arith.select %eq3A_304, %select_n3A_305, %select_n3A_302 : i32
        %add3A_307 = arith.constant 0 : i32
        %add3A_308 = arith.addi %select_n3A_306, %add3A_307 : i32
        %add3A_309 = arith.constant 0 : i32
        %add3A_310 = arith.addi %select_n3A_299, %add3A_309 : i32
        %add3A_311 = arith.constant 0 : i32
        %add3A_312 = arith.addi %add3A_311, %mul3A_6 : i32
        %select_n3A_313 = arith.constant true
        %select_n3A_314 = arith.constant 0 : i32
        %select_n3A_315 = arith.constant 1 : i32
        %select_n3A_316 = arith.select %select_n3A_313, %select_n3A_315, %select_n3A_314 : i32
        %eq3A_317 = arith.constant 1 : i32
        %eq3A_318 = arith.cmpi eq, %select_n3A_316, %eq3A_317 : i32
        %select_n3A_319 = arith.constant 0 : i32
        %select_n3A_320 = arith.select %eq3A_318, %select_n3A_319, %select_n3A_316 : i32
        %add3A_321 = arith.constant 1 : i32
        %add3A_322 = arith.addi %scan3A_273, %add3A_321 : i32
        %select_n3A_323 = arith.select %eq3A_318, %add3A_322, %scan3A_273 : i32
        %eq3A_324 = arith.constant 2 : i32
        %eq3A_325 = arith.cmpi eq, %select_n3A_323, %eq3A_324 : i32
        %select_n3A_326 = arith.constant 0 : i32
        %select_n3A_327 = arith.select %eq3A_325, %select_n3A_326, %select_n3A_323 : i32
        %add3A_328 = arith.constant 1 : i32
        %add3A_329 = arith.addi %scan3A_272, %add3A_328 : i32
        %select_n3A_330 = arith.select %eq3A_325, %add3A_329, %scan3A_272 : i32
        %eq3A_331 = arith.constant 2 : i32
        %eq3A_332 = arith.cmpi eq, %select_n3A_330, %eq3A_331 : i32
        %select_n3A_333 = arith.constant 0 : i32
        %select_n3A_334 = arith.select %eq3A_332, %select_n3A_333, %select_n3A_330 : i32
        %add3A_335 = arith.constant 0 : i32
        %add3A_336 = arith.addi %select_n3A_334, %add3A_335 : i32
        %add3A_337 = arith.constant 0 : i32
        %add3A_338 = arith.addi %select_n3A_327, %add3A_337 : i32
        %add3A_339 = arith.constant 0 : i32
        %add3A_340 = arith.addi %add3A_339, %mul3A_6 : i32
        %select_n3A_341 = arith.constant true
        %select_n3A_342 = arith.constant 0 : i32
        %select_n3A_343 = arith.constant 1 : i32
        %select_n3A_344 = arith.select %select_n3A_341, %select_n3A_343, %select_n3A_342 : i32
        %eq3A_345 = arith.constant 1 : i32
        %eq3A_346 = arith.cmpi eq, %select_n3A_344, %eq3A_345 : i32
        %select_n3A_347 = arith.constant 0 : i32
        %select_n3A_348 = arith.select %eq3A_346, %select_n3A_347, %select_n3A_344 : i32
        %add3A_349 = arith.constant 1 : i32
        %add3A_350 = arith.addi %select_n3A_327, %add3A_349 : i32
        %select_n3A_351 = arith.select %eq3A_346, %add3A_350, %select_n3A_327 : i32
        %eq3A_352 = arith.constant 2 : i32
        %eq3A_353 = arith.cmpi eq, %select_n3A_351, %eq3A_352 : i32
        %select_n3A_354 = arith.constant 0 : i32
        %select_n3A_355 = arith.select %eq3A_353, %select_n3A_354, %select_n3A_351 : i32
        %add3A_356 = arith.constant 1 : i32
        %add3A_357 = arith.addi %select_n3A_334, %add3A_356 : i32
        %select_n3A_358 = arith.select %eq3A_353, %add3A_357, %select_n3A_334 : i32
        %eq3A_359 = arith.constant 2 : i32
        %eq3A_360 = arith.cmpi eq, %select_n3A_358, %eq3A_359 : i32
        %select_n3A_361 = arith.constant 0 : i32
        %select_n3A_362 = arith.select %eq3A_360, %select_n3A_361, %select_n3A_358 : i32
        %add3A_363 = arith.constant 0 : i32
        %add3A_364 = arith.addi %select_n3A_362, %add3A_363 : i32
        %add3A_365 = arith.constant 0 : i32
        %add3A_366 = arith.addi %select_n3A_355, %add3A_365 : i32
        %add3A_367 = arith.constant 0 : i32
        %add3A_368 = arith.addi %add3A_367, %mul3A_6 : i32
        %ne3A = arith.cmpi ne, %add3A_280, %add3A_336 : i32
        %ne3A_369 = arith.cmpi ne, %add3A_284, %add3A_340 : i32
        %or3A = arith.constant false
        %or3A_370 = arith.ori %or3A, %ne3A : i1
        %or3A_371 = arith.ori %or3A_370, %ne3A_369 : i1
        %or3A_372 = arith.constant false
        %or3A_373 = arith.ori %or3A_371, %or3A_372 : i1
        %ge3A = arith.constant 3 : i32
        %ge3A_374 = arith.cmpi sge, %scan3A_267, %ge3A : i32
        %not3A = arith.constant true
        %not3A_375 = arith.xori %ge3A_374, %not3A : i1
        %and3A = arith.andi %or3A_373, %not3A_375 : i1
        %convert_element_type3A = arith.extui %and3A : i1 to i32
        %cond3A = arith.constant 0 : i32
        %cond3A_376 = arith.cmpi ne, %convert_element_type3A, %cond3A : i32
        scf.if %cond3A_376 {
          "tpu.trace_start"() <{level = 10 : i32, message = "ep_copy_in"}> : () -> ()
          %rem3A_551 = arith.constant 2 : i32
          %rem3A_552 = arith.remui %scan3A_268, %rem3A_551 : i32
          %mul3A_553 = arith.constant 1 : i32
          %mul3A_554 = arith.muli %mul3A_553, %add3A_336 : i32
          %mul3A_555 = arith.constant 128 : i32
          %mul3A_556 = arith.muli %mul3A_555, %add3A_340 : i32
          %dma_start3A_557 = arith.constant 0 : i32
          %dma_start3A_558 = arith.constant 0 : i32
          %dma_start3A_559 = arith.constant 0 : i32
          %dma_start3A_560 = tpu.memref_slice %run_scoped3A[%rem3A_552, %dma_start3A_557, %dma_start3A_558, %dma_start3A_559] : memref<2x1x128x384xf32, #tpu.memory_space<vmem>> -> memref<1x1x128x384xf32, #tpu.memory_space<vmem>>
          %dma_start3A_561 = tpu.memref_squeeze %dma_start3A_560 : memref<1x1x128x384xf32, #tpu.memory_space<vmem>> -> memref<1x128x384xf32, #tpu.memory_space<vmem>>
          %dma_start3A_562 = arith.constant 0 : i32
          %dma_start3A_563 = tpu.memref_slice %arg2[%mul3A_554, %mul3A_556, %dma_start3A_562] : memref<2x4096x384xf32, #tpu.memory_space<hbm>> -> memref<1x128x384xf32, #tpu.memory_space<hbm>>
          %dma_start3A_564 = tpu.memref_slice %run_scoped3A_7[%rem3A_552] : memref<2x!tpu.dma_semaphore, #tpu.memory_space<semaphore_mem>> -> memref<1x!tpu.dma_semaphore, #tpu.memory_space<semaphore_mem>>
          %dma_start3A_565 = tpu.memref_squeeze %dma_start3A_564 : memref<1x!tpu.dma_semaphore, #tpu.memory_space<semaphore_mem>> -> memref<!tpu.dma_semaphore, #tpu.memory_space<semaphore_mem>>
          %dma_start3A_566 = arith.constant 0 : i32
          %dma_start3A_567 = arith.constant 0 : i32
          %dma_start3A_568 = arith.constant 0 : i32
          %dma_start3A_569 = tpu.memref_slice %run_scoped3A[%rem3A_552, %dma_start3A_566, %dma_start3A_567, %dma_start3A_568] : memref<2x1x128x384xf32, #tpu.memory_space<vmem>> -> memref<1x1x128x384xf32, #tpu.memory_space<vmem>>
          %dma_start3A_570 = tpu.memref_squeeze %dma_start3A_569 : memref<1x1x128x384xf32, #tpu.memory_space<vmem>> -> memref<1x128x384xf32, #tpu.memory_space<vmem>>
          %dma_start3A_571 = arith.constant 0 : i32
          %dma_start3A_572 = tpu.memref_slice %arg2[%mul3A_554, %mul3A_556, %dma_start3A_571] : memref<2x4096x384xf32, #tpu.memory_space<hbm>> -> memref<1x128x384xf32, #tpu.memory_space<hbm>>
          tpu.enqueue_dma source(%dma_start3A_572 : memref<1x128x384xf32, #tpu.memory_space<hbm>>) target(%dma_start3A_570 : memref<1x128x384xf32, #tpu.memory_space<vmem>>) target_semaphore(%dma_start3A_565 : memref<!tpu.dma_semaphore, #tpu.memory_space<semaphore_mem>>)
          "tpu.trace_stop"() : () -> ()
        } else {
        }
        %and3A_377 = arith.constant true
        %and3A_378 = arith.andi %and3A, %and3A_377 : i1
        %add3A_379 = arith.constant 1 : i32
        %add3A_380 = arith.addi %scan3A_268, %add3A_379 : i32
        %select_n3A_381 = arith.select %and3A_378, %add3A_380, %scan3A_268 : i32
        %mul3A_382 = arith.constant 2 : i32
        %mul3A_383 = arith.muli %mul3A_382, %add3A_280 : i32
        %add3A_384 = arith.addi %mul3A_383, %add3A_282 : i32
        %mul3A_385 = arith.constant 2 : i32
        %mul3A_386 = arith.muli %mul3A_385, %add3A_336 : i32
        %add3A_387 = arith.addi %mul3A_386, %add3A_338 : i32
        %ne3A_388 = arith.cmpi ne, %add3A_384, %add3A_387 : i32
        %ne3A_389 = arith.cmpi ne, %add3A_284, %add3A_340 : i32
        %or3A_390 = arith.constant false
        %or3A_391 = arith.ori %or3A_390, %ne3A_388 : i1
        %or3A_392 = arith.ori %or3A_391, %ne3A_389 : i1
        %ge3A_393 = arith.constant 3 : i32
        %ge3A_394 = arith.cmpi sge, %scan3A_267, %ge3A_393 : i32
        %not3A_395 = arith.constant true
        %not3A_396 = arith.xori %ge3A_394, %not3A_395 : i1
        %and3A_397 = arith.andi %or3A_392, %not3A_396 : i1
        %convert_element_type3A_398 = arith.extui %and3A_397 : i1 to i32
        %cond3A_399 = arith.constant 0 : i32
        %cond3A_400 = arith.cmpi ne, %convert_element_type3A_398, %cond3A_399 : i32
        scf.if %cond3A_400 {
          "tpu.trace_start"() <{level = 10 : i32, message = "ep_copy_in"}> : () -> ()
          %rem3A_551 = arith.constant 2 : i32
          %rem3A_552 = arith.remui %scan3A_270, %rem3A_551 : i32
          %mul3A_553 = arith.constant 2 : i32
          %mul3A_554 = arith.muli %mul3A_553, %add3A_336 : i32
          %add3A_555 = arith.addi %mul3A_554, %add3A_338 : i32
          %mul3A_556 = arith.constant 1 : i32
          %mul3A_557 = arith.muli %mul3A_556, %add3A_555 : i32
          %mul3A_558 = arith.constant 128 : i32
          %mul3A_559 = arith.muli %mul3A_558, %add3A_340 : i32
          %dma_start3A_560 = arith.constant 0 : i32
          %dma_start3A_561 = arith.constant 0 : i32
          %dma_start3A_562 = tpu.memref_slice %run_scoped3A_8[%rem3A_552, %dma_start3A_560, %dma_start3A_561] : memref<2x1x128xi32, #tpu.memory_space<vmem>> -> memref<1x1x128xi32, #tpu.memory_space<vmem>>
          %dma_start3A_563 = tpu.memref_squeeze %dma_start3A_562 : memref<1x1x128xi32, #tpu.memory_space<vmem>> -> memref<1x128xi32, #tpu.memory_space<vmem>>
          %dma_start3A_564 = tpu.memref_slice %arg3[%mul3A_557, %mul3A_559] : memref<4x4096xi32, #tpu.memory_space<hbm>> -> memref<1x128xi32, #tpu.memory_space<hbm>>
          %dma_start3A_565 = tpu.memref_slice %run_scoped3A_9[%rem3A_552] : memref<2x!tpu.dma_semaphore, #tpu.memory_space<semaphore_mem>> -> memref<1x!tpu.dma_semaphore, #tpu.memory_space<semaphore_mem>>
          %dma_start3A_566 = tpu.memref_squeeze %dma_start3A_565 : memref<1x!tpu.dma_semaphore, #tpu.memory_space<semaphore_mem>> -> memref<!tpu.dma_semaphore, #tpu.memory_space<semaphore_mem>>
          %dma_start3A_567 = arith.constant 0 : i32
          %dma_start3A_568 = arith.constant 0 : i32
          %dma_start3A_569 = tpu.memref_slice %run_scoped3A_8[%rem3A_552, %dma_start3A_567, %dma_start3A_568] : memref<2x1x128xi32, #tpu.memory_space<vmem>> -> memref<1x1x128xi32, #tpu.memory_space<vmem>>
          %dma_start3A_570 = tpu.memref_squeeze %dma_start3A_569 : memref<1x1x128xi32, #tpu.memory_space<vmem>> -> memref<1x128xi32, #tpu.memory_space<vmem>>
          %dma_start3A_571 = tpu.memref_slice %arg3[%mul3A_557, %mul3A_559] : memref<4x4096xi32, #tpu.memory_space<hbm>> -> memref<1x128xi32, #tpu.memory_space<hbm>>
          tpu.enqueue_dma source(%dma_start3A_571 : memref<1x128xi32, #tpu.memory_space<hbm>>) target(%dma_start3A_570 : memref<1x128xi32, #tpu.memory_space<vmem>>) target_semaphore(%dma_start3A_566 : memref<!tpu.dma_semaphore, #tpu.memory_space<semaphore_mem>>)
          "tpu.trace_stop"() : () -> ()
        } else {
        }
        %and3A_401 = arith.constant true
        %and3A_402 = arith.andi %and3A_397, %and3A_401 : i1
        %add3A_403 = arith.constant 1 : i32
        %add3A_404 = arith.addi %scan3A_270, %add3A_403 : i32
        %select_n3A_405 = arith.select %and3A_402, %add3A_404, %scan3A_270 : i32
        %ne3A_406 = arith.cmpi ne, %add3A_280, %add3A_308 : i32
        %ne3A_407 = arith.cmpi ne, %add3A_284, %add3A_312 : i32
        %or3A_408 = arith.constant false
        %or3A_409 = arith.ori %or3A_408, %ne3A_406 : i1
        %or3A_410 = arith.ori %or3A_409, %ne3A_407 : i1
        %or3A_411 = arith.constant false
        %or3A_412 = arith.ori %or3A_410, %or3A_411 : i1
        %or3A_413 = arith.ori %or3A_412, %eq3A_276 : i1
        %convert_element_type3A_414 = arith.extui %or3A_413 : i1 to i32
        %cond3A_415 = arith.constant 0 : i32
        %cond3A_416 = arith.cmpi ne, %convert_element_type3A_414, %cond3A_415 : i32
        scf.if %cond3A_416 {
          "tpu.trace_start"() <{level = 10 : i32, message = "ep_wait_in"}> : () -> ()
          %mul3A_551 = arith.constant 1 : i32
          %mul3A_552 = arith.muli %mul3A_551, %add3A_280 : i32
          %mul3A_553 = arith.constant 128 : i32
          %mul3A_554 = arith.muli %mul3A_553, %add3A_284 : i32
          %rem3A_555 = arith.constant 2 : i32
          %rem3A_556 = arith.remui %scan3A_269, %rem3A_555 : i32
          %dma_wait3A = arith.constant 0 : i32
          %dma_wait3A_557 = arith.constant 0 : i32
          %dma_wait3A_558 = arith.constant 0 : i32
          %dma_wait3A_559 = tpu.memref_slice %run_scoped3A[%rem3A_556, %dma_wait3A, %dma_wait3A_557, %dma_wait3A_558] : memref<2x1x128x384xf32, #tpu.memory_space<vmem>> -> memref<1x1x128x384xf32, #tpu.memory_space<vmem>>
          %dma_wait3A_560 = tpu.memref_squeeze %dma_wait3A_559 : memref<1x1x128x384xf32, #tpu.memory_space<vmem>> -> memref<1x128x384xf32, #tpu.memory_space<vmem>>
          %dma_wait3A_561 = arith.constant 0 : i32
          %dma_wait3A_562 = tpu.memref_slice %arg2[%mul3A_552, %mul3A_554, %dma_wait3A_561] : memref<2x4096x384xf32, #tpu.memory_space<hbm>> -> memref<1x128x384xf32, #tpu.memory_space<hbm>>
          %dma_wait3A_563 = tpu.memref_slice %run_scoped3A_7[%rem3A_556] : memref<2x!tpu.dma_semaphore, #tpu.memory_space<semaphore_mem>> -> memref<1x!tpu.dma_semaphore, #tpu.memory_space<semaphore_mem>>
          %dma_wait3A_564 = tpu.memref_squeeze %dma_wait3A_563 : memref<1x!tpu.dma_semaphore, #tpu.memory_space<semaphore_mem>> -> memref<!tpu.dma_semaphore, #tpu.memory_space<semaphore_mem>>
          %dma_wait3A_565 = arith.constant 0 : i32
          %dma_wait3A_566 = arith.constant 0 : i32
          %dma_wait3A_567 = arith.constant 0 : i32
          %dma_wait3A_568 = tpu.memref_slice %run_scoped3A[%rem3A_556, %dma_wait3A_565, %dma_wait3A_566, %dma_wait3A_567] : memref<2x1x128x384xf32, #tpu.memory_space<vmem>> -> memref<1x1x128x384xf32, #tpu.memory_space<vmem>>
          %dma_wait3A_569 = tpu.memref_squeeze %dma_wait3A_568 : memref<1x1x128x384xf32, #tpu.memory_space<vmem>> -> memref<1x128x384xf32, #tpu.memory_space<vmem>>
          %dma_wait3A_570 = arith.constant 0 : i32
          %dma_wait3A_571 = tpu.memref_slice %arg2[%mul3A_552, %mul3A_554, %dma_wait3A_570] : memref<2x4096x384xf32, #tpu.memory_space<hbm>> -> memref<1x128x384xf32, #tpu.memory_space<hbm>>
          tpu.wait_dma2 semaphore(%dma_wait3A_564 : memref<!tpu.dma_semaphore, #tpu.memory_space<semaphore_mem>>) src(%dma_wait3A_571 : memref<1x128x384xf32, #tpu.memory_space<hbm>>) dst(%dma_wait3A_569 : memref<1x128x384xf32, #tpu.memory_space<vmem>>)
          "tpu.trace_stop"() : () -> ()
        } else {
        }
        %mul3A_417 = arith.constant 2 : i32
        %mul3A_418 = arith.muli %mul3A_417, %add3A_280 : i32
        %add3A_419 = arith.addi %mul3A_418, %add3A_282 : i32
        %mul3A_420 = arith.constant 2 : i32
        %mul3A_421 = arith.muli %mul3A_420, %add3A_308 : i32
        %add3A_422 = arith.addi %mul3A_421, %add3A_310 : i32
        %ne3A_423 = arith.cmpi ne, %add3A_419, %add3A_422 : i32
        %ne3A_424 = arith.cmpi ne, %add3A_284, %add3A_312 : i32
        %or3A_425 = arith.constant false
        %or3A_426 = arith.ori %or3A_425, %ne3A_423 : i1
        %or3A_427 = arith.ori %or3A_426, %ne3A_424 : i1
        %or3A_428 = arith.ori %or3A_427, %eq3A_276 : i1
        %convert_element_type3A_429 = arith.extui %or3A_428 : i1 to i32
        %cond3A_430 = arith.constant 0 : i32
        %cond3A_431 = arith.cmpi ne, %convert_element_type3A_429, %cond3A_430 : i32
        scf.if %cond3A_431 {
          "tpu.trace_start"() <{level = 10 : i32, message = "ep_wait_in"}> : () -> ()
          %mul3A_551 = arith.constant 2 : i32
          %mul3A_552 = arith.muli %mul3A_551, %add3A_280 : i32
          %add3A_553 = arith.addi %mul3A_552, %add3A_282 : i32
          %mul3A_554 = arith.constant 1 : i32
          %mul3A_555 = arith.muli %mul3A_554, %add3A_553 : i32
          %mul3A_556 = arith.constant 128 : i32
          %mul3A_557 = arith.muli %mul3A_556, %add3A_284 : i32
          %rem3A_558 = arith.constant 2 : i32
          %rem3A_559 = arith.remui %scan3A_271, %rem3A_558 : i32
          %dma_wait3A = arith.constant 0 : i32
          %dma_wait3A_560 = arith.constant 0 : i32
          %dma_wait3A_561 = tpu.memref_slice %run_scoped3A_8[%rem3A_559, %dma_wait3A, %dma_wait3A_560] : memref<2x1x128xi32, #tpu.memory_space<vmem>> -> memref<1x1x128xi32, #tpu.memory_space<vmem>>
          %dma_wait3A_562 = tpu.memref_squeeze %dma_wait3A_561 : memref<1x1x128xi32, #tpu.memory_space<vmem>> -> memref<1x128xi32, #tpu.memory_space<vmem>>
          %dma_wait3A_563 = tpu.memref_slice %arg3[%mul3A_555, %mul3A_557] : memref<4x4096xi32, #tpu.memory_space<hbm>> -> memref<1x128xi32, #tpu.memory_space<hbm>>
          %dma_wait3A_564 = tpu.memref_slice %run_scoped3A_9[%rem3A_559] : memref<2x!tpu.dma_semaphore, #tpu.memory_space<semaphore_mem>> -> memref<1x!tpu.dma_semaphore, #tpu.memory_space<semaphore_mem>>
          %dma_wait3A_565 = tpu.memref_squeeze %dma_wait3A_564 : memref<1x!tpu.dma_semaphore, #tpu.memory_space<semaphore_mem>> -> memref<!tpu.dma_semaphore, #tpu.memory_space<semaphore_mem>>
          %dma_wait3A_566 = arith.constant 0 : i32
          %dma_wait3A_567 = arith.constant 0 : i32
          %dma_wait3A_568 = tpu.memref_slice %run_scoped3A_8[%rem3A_559, %dma_wait3A_566, %dma_wait3A_567] : memref<2x1x128xi32, #tpu.memory_space<vmem>> -> memref<1x1x128xi32, #tpu.memory_space<vmem>>
          %dma_wait3A_569 = tpu.memref_squeeze %dma_wait3A_568 : memref<1x1x128xi32, #tpu.memory_space<vmem>> -> memref<1x128xi32, #tpu.memory_space<vmem>>
          %dma_wait3A_570 = tpu.memref_slice %arg3[%mul3A_555, %mul3A_557] : memref<4x4096xi32, #tpu.memory_space<hbm>> -> memref<1x128xi32, #tpu.memory_space<hbm>>
          tpu.wait_dma2 semaphore(%dma_wait3A_565 : memref<!tpu.dma_semaphore, #tpu.memory_space<semaphore_mem>>) src(%dma_wait3A_570 : memref<1x128xi32, #tpu.memory_space<hbm>>) dst(%dma_wait3A_569 : memref<1x128xi32, #tpu.memory_space<vmem>>)
          "tpu.trace_stop"() : () -> ()
        } else {
        }
        %rem3A_432 = arith.constant 2 : i32
        %rem3A_433 = arith.remui %scan3A_269, %rem3A_432 : i32
        %rem3A_434 = arith.constant 2 : i32
        %rem3A_435 = arith.remui %scan3A_271, %rem3A_434 : i32
        %run_scoped3A_436 = arith.constant 0 : i32
        %run_scoped3A_437 = arith.constant 0 : i32
        "tpu.trace_start"() <{level = 10 : i32, message = "ep_run_kernel"}> : () -> ()
        "tpu.region"() ({
          %run_scoped3A_551 = tpu.sem_alloc : memref<!tpu.dma_semaphore, #tpu.memory_space<semaphore_mem>>
          %dma_start3A_552 = arith.constant 0 : i32
          %dma_start3A_553 = arith.constant 0 : i32
          %dma_start3A_554 = arith.constant 0 : i32
          %dma_start3A_555 = tpu.memref_slice %run_scoped3A[%rem3A_433, %dma_start3A_552, %dma_start3A_553, %dma_start3A_554] : memref<2x1x128x384xf32, #tpu.memory_space<vmem>> -> memref<1x1x128x384xf32, #tpu.memory_space<vmem>>
          %dma_start3A_556 = tpu.memref_squeeze %dma_start3A_555 : memref<1x1x128x384xf32, #tpu.memory_space<vmem>> -> memref<1x128x384xf32, #tpu.memory_space<vmem>>
          %dma_start3A_557 = arith.constant 0 : i32
          %dma_start3A_558 = arith.constant 0 : i32
          %dma_start3A_559 = tpu.memref_slice %dma_start3A_556[%run_scoped3A_436, %dma_start3A_557, %dma_start3A_558] : memref<1x128x384xf32, #tpu.memory_space<vmem>> -> memref<1x128x384xf32, #tpu.memory_space<vmem>>
          %dma_start3A_560 = tpu.memref_squeeze %dma_start3A_559 : memref<1x128x384xf32, #tpu.memory_space<vmem>> -> memref<128x384xf32, #tpu.memory_space<vmem>>
          %dma_start3A_561 = arith.constant 0 : i32
          %dma_start3A_562 = arith.constant 0 : i32
          %dma_start3A_563 = tpu.memref_slice %run_scoped3A_8[%rem3A_435, %dma_start3A_561, %dma_start3A_562] : memref<2x1x128xi32, #tpu.memory_space<vmem>> -> memref<1x1x128xi32, #tpu.memory_space<vmem>>
          %dma_start3A_564 = tpu.memref_squeeze %dma_start3A_563 : memref<1x1x128xi32, #tpu.memory_space<vmem>> -> memref<1x128xi32, #tpu.memory_space<vmem>>
          %dma_start3A_565 = arith.constant 0 : i32
          %dma_start3A_566 = tpu.memref_slice %dma_start3A_564[%run_scoped3A_437, %dma_start3A_565] : memref<1x128xi32, #tpu.memory_space<vmem>> -> memref<1x128xi32, #tpu.memory_space<vmem>>
          %dma_start3A_567 = tpu.memref_squeeze %dma_start3A_566 : memref<1x128xi32, #tpu.memory_space<vmem>> -> memref<128xi32, #tpu.memory_space<vmem>>
          %dma_start3A_568 = arith.constant 0 : i32
          %dma_start3A_569 = arith.constant 0 : i32
          %dma_start3A_570 = tpu.memref_slice %arg4[%dma_start3A_568, %dma_start3A_569] : memref<20480x384xf32, #tpu.memory_space<hbm>> -> memref<20480x384xf32, #tpu.memory_space<hbm>>
          tpu.enqueue_indirect_dma source(%dma_start3A_560 : memref<128x384xf32, #tpu.memory_space<vmem>>) target(%dma_start3A_570 : memref<20480x384xf32, #tpu.memory_space<hbm>>) offsets(%dma_start3A_567 : memref<128xi32, #tpu.memory_space<vmem>>) semaphore(%run_scoped3A_551 : memref<!tpu.dma_semaphore, #tpu.memory_space<semaphore_mem>>)
          %dma_wait3A = arith.constant 0 : i32
          %dma_wait3A_571 = arith.constant 0 : i32
          %dma_wait3A_572 = arith.constant 0 : i32
          %dma_wait3A_573 = tpu.memref_slice %run_scoped3A[%rem3A_433, %dma_wait3A, %dma_wait3A_571, %dma_wait3A_572] : memref<2x1x128x384xf32, #tpu.memory_space<vmem>> -> memref<1x1x128x384xf32, #tpu.memory_space<vmem>>
          %dma_wait3A_574 = tpu.memref_squeeze %dma_wait3A_573 : memref<1x1x128x384xf32, #tpu.memory_space<vmem>> -> memref<1x128x384xf32, #tpu.memory_space<vmem>>
          %dma_wait3A_575 = arith.constant 0 : i32
          %dma_wait3A_576 = arith.constant 0 : i32
          %dma_wait3A_577 = tpu.memref_slice %dma_wait3A_574[%run_scoped3A_436, %dma_wait3A_575, %dma_wait3A_576] : memref<1x128x384xf32, #tpu.memory_space<vmem>> -> memref<1x128x384xf32, #tpu.memory_space<vmem>>
          %dma_wait3A_578 = tpu.memref_squeeze %dma_wait3A_577 : memref<1x128x384xf32, #tpu.memory_space<vmem>> -> memref<128x384xf32, #tpu.memory_space<vmem>>
          %dma_wait3A_579 = arith.constant 0 : i32
          %dma_wait3A_580 = arith.constant 0 : i32
          %dma_wait3A_581 = tpu.memref_slice %run_scoped3A_8[%rem3A_435, %dma_wait3A_579, %dma_wait3A_580] : memref<2x1x128xi32, #tpu.memory_space<vmem>> -> memref<1x1x128xi32, #tpu.memory_space<vmem>>
          %dma_wait3A_582 = tpu.memref_squeeze %dma_wait3A_581 : memref<1x1x128xi32, #tpu.memory_space<vmem>> -> memref<1x128xi32, #tpu.memory_space<vmem>>
          %dma_wait3A_583 = arith.constant 0 : i32
          %dma_wait3A_584 = tpu.memref_slice %dma_wait3A_582[%run_scoped3A_437, %dma_wait3A_583] : memref<1x128xi32, #tpu.memory_space<vmem>> -> memref<1x128xi32, #tpu.memory_space<vmem>>
          %dma_wait3A_585 = tpu.memref_squeeze %dma_wait3A_584 : memref<1x128xi32, #tpu.memory_space<vmem>> -> memref<128xi32, #tpu.memory_space<vmem>>
          %dma_wait3A_586 = arith.constant 0 : i32
          %dma_wait3A_587 = arith.constant 0 : i32
          %dma_wait3A_588 = tpu.memref_slice %arg4[%dma_wait3A_586, %dma_wait3A_587] : memref<20480x384xf32, #tpu.memory_space<hbm>> -> memref<20480x384xf32, #tpu.memory_space<hbm>>
          tpu.wait_indirect_dma semaphore(%run_scoped3A_551 : memref<!tpu.dma_semaphore, #tpu.memory_space<semaphore_mem>>) src(%dma_wait3A_578 : memref<128x384xf32, #tpu.memory_space<vmem>>) dst(%dma_wait3A_588 : memref<20480x384xf32, #tpu.memory_space<hbm>>)
          tpu.yield
        }) : () -> ()
        "tpu.trace_stop"() : () -> ()
        %ne3A_438 = arith.cmpi ne, %add3A_280, %add3A_336 : i32
        %ne3A_439 = arith.cmpi ne, %add3A_284, %add3A_340 : i32
        %or3A_440 = arith.constant false
        %or3A_441 = arith.ori %or3A_440, %ne3A_438 : i1
        %or3A_442 = arith.ori %or3A_441, %ne3A_439 : i1
        %or3A_443 = arith.constant false
        %or3A_444 = arith.ori %or3A_442, %or3A_443 : i1
        %or3A_445 = arith.ori %or3A_444, %eq3A_278 : i1
        %convert_element_type3A_446 = arith.extui %or3A_445 : i1 to i32
        %cond3A_447 = arith.constant 0 : i32
        %cond3A_448 = arith.cmpi ne, %convert_element_type3A_446, %cond3A_447 : i32
        scf.if %cond3A_448 {
        } else {
        }
        %and3A_449 = arith.constant false
        %and3A_450 = arith.andi %or3A_445, %and3A_449 : i1
        %mul3A_451 = arith.constant 2 : i32
        %mul3A_452 = arith.muli %mul3A_451, %add3A_280 : i32
        %add3A_453 = arith.addi %mul3A_452, %add3A_282 : i32
        %mul3A_454 = arith.constant 2 : i32
        %mul3A_455 = arith.muli %mul3A_454, %add3A_336 : i32
        %add3A_456 = arith.addi %mul3A_455, %add3A_338 : i32
        %ne3A_457 = arith.cmpi ne, %add3A_453, %add3A_456 : i32
        %ne3A_458 = arith.cmpi ne, %add3A_284, %add3A_340 : i32
        %or3A_459 = arith.constant false
        %or3A_460 = arith.ori %or3A_459, %ne3A_457 : i1
        %or3A_461 = arith.ori %or3A_460, %ne3A_458 : i1
        %or3A_462 = arith.ori %or3A_461, %eq3A_278 : i1
        %convert_element_type3A_463 = arith.extui %or3A_462 : i1 to i32
        %cond3A_464 = arith.constant 0 : i32
        %cond3A_465 = arith.cmpi ne, %convert_element_type3A_463, %cond3A_464 : i32
        scf.if %cond3A_465 {
        } else {
        }
        %and3A_466 = arith.constant false
        %and3A_467 = arith.andi %or3A_462, %and3A_466 : i1
        %ne3A_468 = arith.cmpi ne, %add3A_280, %add3A_308 : i32
        %ne3A_469 = arith.cmpi ne, %add3A_284, %add3A_312 : i32
        %or3A_470 = arith.constant false
        %or3A_471 = arith.ori %or3A_470, %ne3A_468 : i1
        %or3A_472 = arith.ori %or3A_471, %ne3A_469 : i1
        %or3A_473 = arith.constant false
        %or3A_474 = arith.ori %or3A_472, %or3A_473 : i1
        %not3A_475 = arith.constant true
        %not3A_476 = arith.xori %eq3A_276, %not3A_475 : i1
        %and3A_477 = arith.andi %or3A_474, %not3A_476 : i1
        %convert_element_type3A_478 = arith.extui %and3A_477 : i1 to i32
        %cond3A_479 = arith.constant 0 : i32
        %cond3A_480 = arith.cmpi ne, %convert_element_type3A_478, %cond3A_479 : i32
        scf.if %cond3A_480 {
        } else {
        }
        %and3A_481 = arith.constant false
        %and3A_482 = arith.andi %and3A_477, %and3A_481 : i1
        %mul3A_483 = arith.constant 2 : i32
        %mul3A_484 = arith.muli %mul3A_483, %add3A_280 : i32
        %add3A_485 = arith.addi %mul3A_484, %add3A_282 : i32
        %mul3A_486 = arith.constant 2 : i32
        %mul3A_487 = arith.muli %mul3A_486, %add3A_308 : i32
        %add3A_488 = arith.addi %mul3A_487, %add3A_310 : i32
        %ne3A_489 = arith.cmpi ne, %add3A_485, %add3A_488 : i32
        %ne3A_490 = arith.cmpi ne, %add3A_284, %add3A_312 : i32
        %or3A_491 = arith.constant false
        %or3A_492 = arith.ori %or3A_491, %ne3A_489 : i1
        %or3A_493 = arith.ori %or3A_492, %ne3A_490 : i1
        %not3A_494 = arith.constant true
        %not3A_495 = arith.xori %eq3A_276, %not3A_494 : i1
        %and3A_496 = arith.andi %or3A_493, %not3A_495 : i1
        %convert_element_type3A_497 = arith.extui %and3A_496 : i1 to i32
        %cond3A_498 = arith.constant 0 : i32
        %cond3A_499 = arith.cmpi ne, %convert_element_type3A_497, %cond3A_498 : i32
        scf.if %cond3A_499 {
        } else {
        }
        %and3A_500 = arith.constant false
        %and3A_501 = arith.andi %and3A_496, %and3A_500 : i1
        %ne3A_502 = arith.cmpi ne, %add3A_280, %add3A_336 : i32
        %ne3A_503 = arith.cmpi ne, %add3A_284, %add3A_340 : i32
        %or3A_504 = arith.constant false
        %or3A_505 = arith.ori %or3A_504, %ne3A_502 : i1
        %or3A_506 = arith.ori %or3A_505, %ne3A_503 : i1
        %or3A_507 = arith.constant false
        %or3A_508 = arith.ori %or3A_506, %or3A_507 : i1
        %or3A_509 = arith.ori %or3A_508, %eq3A_278 : i1
        %add3A_510 = arith.constant 1 : i32
        %add3A_511 = arith.addi %scan3A_269, %add3A_510 : i32
        %select_n3A_512 = arith.select %or3A_509, %add3A_511, %scan3A_269 : i32
        %mul3A_513 = arith.constant 2 : i32
        %mul3A_514 = arith.muli %mul3A_513, %add3A_280 : i32
        %add3A_515 = arith.addi %mul3A_514, %add3A_282 : i32
        %mul3A_516 = arith.constant 2 : i32
        %mul3A_517 = arith.muli %mul3A_516, %add3A_336 : i32
        %add3A_518 = arith.addi %mul3A_517, %add3A_338 : i32
        %ne3A_519 = arith.cmpi ne, %add3A_515, %add3A_518 : i32
        %ne3A_520 = arith.cmpi ne, %add3A_284, %add3A_340 : i32
        %or3A_521 = arith.constant false
        %or3A_522 = arith.ori %or3A_521, %ne3A_519 : i1
        %or3A_523 = arith.ori %or3A_522, %ne3A_520 : i1
        %or3A_524 = arith.ori %or3A_523, %eq3A_278 : i1
        %add3A_525 = arith.constant 1 : i32
        %add3A_526 = arith.addi %scan3A_271, %add3A_525 : i32
        %select_n3A_527 = arith.select %or3A_524, %add3A_526, %scan3A_271 : i32
        %select_n3A_528 = arith.constant true
        %select_n3A_529 = arith.constant 0 : i32
        %select_n3A_530 = arith.constant 1 : i32
        %select_n3A_531 = arith.select %select_n3A_528, %select_n3A_530, %select_n3A_529 : i32
        %eq3A_532 = arith.constant 1 : i32
        %eq3A_533 = arith.cmpi eq, %select_n3A_531, %eq3A_532 : i32
        %select_n3A_534 = arith.constant 0 : i32
        %select_n3A_535 = arith.select %eq3A_533, %select_n3A_534, %select_n3A_531 : i32
        %add3A_536 = arith.constant 1 : i32
        %add3A_537 = arith.addi %scan3A_273, %add3A_536 : i32
        %select_n3A_538 = arith.select %eq3A_533, %add3A_537, %scan3A_273 : i32
        %eq3A_539 = arith.constant 2 : i32
        %eq3A_540 = arith.cmpi eq, %select_n3A_538, %eq3A_539 : i32
        %select_n3A_541 = arith.constant 0 : i32
        %select_n3A_542 = arith.select %eq3A_540, %select_n3A_541, %select_n3A_538 : i32
        %add3A_543 = arith.constant 1 : i32
        %add3A_544 = arith.addi %scan3A_272, %add3A_543 : i32
        %select_n3A_545 = arith.select %eq3A_540, %add3A_544, %scan3A_272 : i32
        %eq3A_546 = arith.constant 2 : i32
        %eq3A_547 = arith.cmpi eq, %select_n3A_545, %eq3A_546 : i32
        %select_n3A_548 = arith.constant 0 : i32
        %select_n3A_549 = arith.select %eq3A_547, %select_n3A_548, %select_n3A_545 : i32
        %scan3A_550 = arith.constant 0 : i32
        scf.yield %select_n3A_381, %select_n3A_512, %select_n3A_405, %select_n3A_527, %select_n3A_549, %select_n3A_542, %scan3A_550 : i32, i32, i32, i32, i32, i32, i32
      }
      %scan3A_155 = arith.constant 4 : i32
      %sub3A = arith.constant 1 : i32
      %sub3A_156 = arith.subi %scan3A_154#6, %sub3A : i32
      %select_n3A_157 = arith.constant true
      %select_n3A_158 = arith.select %select_n3A_157, %sub3A_156, %scan3A_154#6 : i32
      %eq3A_159 = arith.constant -1 : i32
      %eq3A_160 = arith.cmpi eq, %select_n3A_158, %eq3A_159 : i32
      %select_n3A_161 = arith.constant 0 : i32
      %select_n3A_162 = arith.select %eq3A_160, %select_n3A_161, %select_n3A_158 : i32
      %sub3A_163 = arith.constant 1 : i32
      %sub3A_164 = arith.subi %scan3A_154#5, %sub3A_163 : i32
      %select_n3A_165 = arith.select %eq3A_160, %sub3A_164, %scan3A_154#5 : i32
      %eq3A_166 = arith.constant -1 : i32
      %eq3A_167 = arith.cmpi eq, %select_n3A_165, %eq3A_166 : i32
      %select_n3A_168 = arith.constant 1 : i32
      %select_n3A_169 = arith.select %eq3A_167, %select_n3A_168, %select_n3A_165 : i32
      %sub3A_170 = arith.constant 1 : i32
      %sub3A_171 = arith.subi %scan3A_154#4, %sub3A_170 : i32
      %select_n3A_172 = arith.select %eq3A_167, %sub3A_171, %scan3A_154#4 : i32
      %eq3A_173 = arith.constant -1 : i32
      %eq3A_174 = arith.cmpi eq, %select_n3A_172, %eq3A_173 : i32
      %select_n3A_175 = arith.constant 1 : i32
      %select_n3A_176 = arith.select %eq3A_174, %select_n3A_175, %select_n3A_172 : i32
      %add3A_177 = arith.constant 0 : i32
      %add3A_178 = arith.addi %select_n3A_176, %add3A_177 : i32
      %add3A_179 = arith.constant 0 : i32
      %add3A_180 = arith.addi %select_n3A_169, %add3A_179 : i32
      %add3A_181 = arith.constant 0 : i32
      %add3A_182 = arith.addi %add3A_181, %mul3A_6 : i32
      %select_n3A_183 = arith.constant true
      %select_n3A_184 = arith.constant 0 : i32
      %select_n3A_185 = arith.constant -1 : i32
      %select_n3A_186 = arith.select %select_n3A_183, %select_n3A_185, %select_n3A_184 : i32
      %eq3A_187 = arith.constant -1 : i32
      %eq3A_188 = arith.cmpi eq, %select_n3A_186, %eq3A_187 : i32
      %select_n3A_189 = arith.constant 0 : i32
      %select_n3A_190 = arith.select %eq3A_188, %select_n3A_189, %select_n3A_186 : i32
      %sub3A_191 = arith.constant 1 : i32
      %sub3A_192 = arith.subi %select_n3A_169, %sub3A_191 : i32
      %select_n3A_193 = arith.select %eq3A_188, %sub3A_192, %select_n3A_169 : i32
      %eq3A_194 = arith.constant -1 : i32
      %eq3A_195 = arith.cmpi eq, %select_n3A_193, %eq3A_194 : i32
      %select_n3A_196 = arith.constant 1 : i32
      %select_n3A_197 = arith.select %eq3A_195, %select_n3A_196, %select_n3A_193 : i32
      %sub3A_198 = arith.constant 1 : i32
      %sub3A_199 = arith.subi %select_n3A_176, %sub3A_198 : i32
      %select_n3A_200 = arith.select %eq3A_195, %sub3A_199, %select_n3A_176 : i32
      %eq3A_201 = arith.constant -1 : i32
      %eq3A_202 = arith.cmpi eq, %select_n3A_200, %eq3A_201 : i32
      %select_n3A_203 = arith.constant 1 : i32
      %select_n3A_204 = arith.select %eq3A_202, %select_n3A_203, %select_n3A_200 : i32
      %add3A_205 = arith.constant 0 : i32
      %add3A_206 = arith.addi %select_n3A_204, %add3A_205 : i32
      %add3A_207 = arith.constant 0 : i32
      %add3A_208 = arith.addi %select_n3A_197, %add3A_207 : i32
      %add3A_209 = arith.constant 0 : i32
      %add3A_210 = arith.addi %add3A_209, %mul3A_6 : i32
      %select_n3A_211 = arith.constant true
      %select_n3A_212 = arith.constant 0 : i32
      %select_n3A_213 = arith.constant 1 : i32
      %select_n3A_214 = arith.select %select_n3A_211, %select_n3A_213, %select_n3A_212 : i32
      %eq3A_215 = arith.constant 1 : i32
      %eq3A_216 = arith.cmpi eq, %select_n3A_214, %eq3A_215 : i32
      %select_n3A_217 = arith.constant 0 : i32
      %select_n3A_218 = arith.select %eq3A_216, %select_n3A_217, %select_n3A_214 : i32
      %add3A_219 = arith.constant 1 : i32
      %add3A_220 = arith.addi %select_n3A_169, %add3A_219 : i32
      %select_n3A_221 = arith.select %eq3A_216, %add3A_220, %select_n3A_169 : i32
      %eq3A_222 = arith.constant 2 : i32
      %eq3A_223 = arith.cmpi eq, %select_n3A_221, %eq3A_222 : i32
      %select_n3A_224 = arith.constant 0 : i32
      %select_n3A_225 = arith.select %eq3A_223, %select_n3A_224, %select_n3A_221 : i32
      %add3A_226 = arith.constant 1 : i32
      %add3A_227 = arith.addi %select_n3A_176, %add3A_226 : i32
      %select_n3A_228 = arith.select %eq3A_223, %add3A_227, %select_n3A_176 : i32
      %eq3A_229 = arith.constant 2 : i32
      %eq3A_230 = arith.cmpi eq, %select_n3A_228, %eq3A_229 : i32
      %select_n3A_231 = arith.constant 0 : i32
      %select_n3A_232 = arith.select %eq3A_230, %select_n3A_231, %select_n3A_228 : i32
      %add3A_233 = arith.constant 0 : i32
      %add3A_234 = arith.addi %select_n3A_232, %add3A_233 : i32
      %add3A_235 = arith.constant 0 : i32
      %add3A_236 = arith.addi %select_n3A_225, %add3A_235 : i32
      %add3A_237 = arith.constant 0 : i32
      %add3A_238 = arith.addi %add3A_237, %mul3A_6 : i32
      %select_n3A_239 = arith.constant true
      %select_n3A_240 = arith.constant 0 : i32
      %select_n3A_241 = arith.constant 1 : i32
      %select_n3A_242 = arith.select %select_n3A_239, %select_n3A_241, %select_n3A_240 : i32
      %eq3A_243 = arith.constant 1 : i32
      %eq3A_244 = arith.cmpi eq, %select_n3A_242, %eq3A_243 : i32
      %select_n3A_245 = arith.constant 0 : i32
      %select_n3A_246 = arith.select %eq3A_244, %select_n3A_245, %select_n3A_242 : i32
      %add3A_247 = arith.constant 1 : i32
      %add3A_248 = arith.addi %select_n3A_225, %add3A_247 : i32
      %select_n3A_249 = arith.select %eq3A_244, %add3A_248, %select_n3A_225 : i32
      %eq3A_250 = arith.constant 2 : i32
      %eq3A_251 = arith.cmpi eq, %select_n3A_249, %eq3A_250 : i32
      %select_n3A_252 = arith.constant 0 : i32
      %select_n3A_253 = arith.select %eq3A_251, %select_n3A_252, %select_n3A_249 : i32
      %add3A_254 = arith.constant 1 : i32
      %add3A_255 = arith.addi %select_n3A_232, %add3A_254 : i32
      %select_n3A_256 = arith.select %eq3A_251, %add3A_255, %select_n3A_232 : i32
      %eq3A_257 = arith.constant 2 : i32
      %eq3A_258 = arith.cmpi eq, %select_n3A_256, %eq3A_257 : i32
      %select_n3A_259 = arith.constant 0 : i32
      %select_n3A_260 = arith.select %eq3A_258, %select_n3A_259, %select_n3A_256 : i32
      %add3A_261 = arith.constant 0 : i32
      %add3A_262 = arith.addi %select_n3A_260, %add3A_261 : i32
      %add3A_263 = arith.constant 0 : i32
      %add3A_264 = arith.addi %select_n3A_253, %add3A_263 : i32
      %add3A_265 = arith.constant 0 : i32
      %add3A_266 = arith.addi %add3A_265, %mul3A_6 : i32
      tpu.yield
    }) : () -> ()
    return
  }
}

module attributes {stable_mosaic.version = 14 : i64} {
  func.func @_router_kernel(%arg0: i32, %arg1: memref<256x768xf32, #tpu.memory_space<vmem>>, %arg2: memref<768x8xf32, #tpu.memory_space<vmem>>, %arg3: memref<1x8xf32, #tpu.memory_space<vmem>>, %arg4: memref<2x256x384xf32, #tpu.memory_space<vmem>>, %arg5: memref<256x2xf32, #tpu.memory_space<vmem>>, %arg6: memref<256x2xi32, #tpu.memory_space<vmem>>, %arg7: memref<256x2xi32, #tpu.memory_space<vmem>>, %arg8: memref<1x8xi32, #tpu.memory_space<vmem>>, %arg9: memref<1x8xf32, #tpu.memory_space<vmem>>) attributes {dimension_semantics = [#tpu.dimension_semantics<arbitrary>], iteration_bounds = array<i64: 16>, scalar_prefetch = 0 : i64, scratch_operands = 1 : i64, tpu.core_type = #tpu.core_type<tc>, window_params = [{transform_indices = @transform_0, window_bounds = array<i64: 256, 768>}, {pipeline_mode = #tpu.pipeline_mode<synchronous>, transform_indices = @transform_1, window_bounds = array<i64: 768, 8>}, {pipeline_mode = #tpu.pipeline_mode<synchronous>, transform_indices = @transform_2, window_bounds = array<i64: 1, 8>}, {transform_indices = @transform_3, window_bounds = array<i64: 2, 256, 384>}, {transform_indices = @transform_4, window_bounds = array<i64: 256, 2>}, {transform_indices = @transform_5, window_bounds = array<i64: 256, 2>}, {transform_indices = @transform_6, window_bounds = array<i64: 256, 2>}, {pipeline_mode = #tpu.pipeline_mode<synchronous>, transform_indices = @transform_7, window_bounds = array<i64: 1, 8>}]} {
    %eq3A = arith.constant 0 : i32
    %eq3A_0 = arith.cmpi eq, %arg0, %eq3A : i32
    %convert_element_type3A = arith.extui %eq3A_0 : i1 to i32
    %cond3A = arith.constant 0 : i32
    %cond3A_1 = arith.cmpi ne, %convert_element_type3A, %cond3A : i32
    scf.if %cond3A_1 {
      %broadcast_in_dim3A_104 = arith.constant 0.000000e+00 : f32
      %broadcast_in_dim3A_105 = vector.broadcast %broadcast_in_dim3A_104 : f32 to vector<1x8xf32>
      %swap3A_106 = arith.constant 0 : index
      %swap3A_107 = arith.constant 0 : index
      %swap3A_108 = vector.load %arg9[%swap3A_106, %swap3A_107] : memref<1x8xf32, #tpu.memory_space<vmem>>, vector<1x8xf32>
      tpu.vector_store %arg9[%swap3A_106, %swap3A_107], %broadcast_in_dim3A_105 {strides = array<i32>} : memref<1x8xf32, #tpu.memory_space<vmem>>, vector<1x8xf32>,
    } else {
    }
    %get3A = arith.constant 0 : index
    %get3A_2 = arith.constant 0 : index
    %get3A_3 = vector.load %arg1[%get3A, %get3A_2] : memref<256x768xf32, #tpu.memory_space<vmem>>, vector<256x768xf32>
    %get3A_4 = arith.constant 0 : index
    %get3A_5 = arith.constant 0 : index
    %get3A_6 = vector.load %arg2[%get3A_4, %get3A_5] : memref<768x8xf32, #tpu.memory_space<vmem>>, vector<768x8xf32>
    %dot_general3A = arith.constant dense<0.000000e+00> : vector<256x8xf32>
    %dot_general3A_7 = tpu.matmul %get3A_3, %get3A_6, %dot_general3A {dimension_numbers = #tpu.dot_dimension_numbers<[1], [0], [0], [1], [0, 0, 1, 1], [], []>, transpose_lhs_hint = false} : vector<256x768xf32>, vector<768x8xf32>, vector<256x8xf32> -> vector<256x8xf32>
    %get3A_8 = arith.constant 0 : index
    %get3A_9 = arith.constant 0 : index
    %get3A_10 = vector.load %arg3[%get3A_8, %get3A_9] : memref<1x8xf32, #tpu.memory_space<vmem>>, vector<1x8xf32>
    %add3A = vector.broadcast %get3A_10 : vector<1x8xf32> to vector<256x8xf32>
    %add3A_11 = arith.addf %dot_general3A_7, %add3A : vector<256x8xf32>
    %reduce_max3A = arith.constant dense<0xFF800000> : vector<256xf32>
    %reduce_max3A_12 = vector.multi_reduction <maximumf>, %add3A_11, %reduce_max3A [1] : vector<256x8xf32> to vector<256xf32>
    %broadcast_in_dim3A = vector.shape_cast %reduce_max3A_12 : vector<256xf32> to vector<256x1xf32>
    %sub3A = vector.broadcast %broadcast_in_dim3A : vector<256x1xf32> to vector<256x8xf32>
    %sub3A_13 = arith.subf %add3A_11, %sub3A : vector<256x8xf32>
    %exp3A = math.exp %sub3A_13 : vector<256x8xf32>
    %reduce_sum3A = arith.constant dense<0.000000e+00> : vector<256xf32>
    %reduce_sum3A_14 = vector.multi_reduction <add>, %exp3A, %reduce_sum3A [1] : vector<256x8xf32> to vector<256xf32>
    %broadcast_in_dim3A_15 = vector.shape_cast %reduce_sum3A_14 : vector<256xf32> to vector<256x1xf32>
    %div3A = vector.broadcast %broadcast_in_dim3A_15 : vector<256x1xf32> to vector<256x8xf32>
    %div3A_16 = arith.divf %exp3A, %div3A : vector<256x8xf32>
    %argmax3A = tpu.reduce_index %div3A_16 {axis = 1 : i32, kind = #tpu.reduction_kind<arg_max>} : vector<256x8xf32> -> vector<256xi32>
    %reshape3A = vector.shape_cast %argmax3A : vector<256xi32> to vector<256x1xi32>
    %reduce_max3A_17 = arith.constant dense<0xFF800000> : vector<256xf32>
    %reduce_max3A_18 = vector.multi_reduction <maximumf>, %div3A_16, %reduce_max3A_17 [1] : vector<256x8xf32> to vector<256xf32>
    %broadcast_in_dim3A_19 = vector.shape_cast %reduce_max3A_18 : vector<256xf32> to vector<256x1xf32>
    %iota3A = tpu.iota {dimensions = array<i32: 1>} : vector<256x8xi32>
    %eq3A_20 = vector.broadcast %reshape3A : vector<256x1xi32> to vector<256x8xi32>
    %eq3A_21 = arith.cmpi eq, %iota3A, %eq3A_20 : vector<256x8xi32>
    %sub3A_22 = arith.constant 2.000000e+00 : f32
    %sub3A_23 = vector.broadcast %sub3A_22 : f32 to vector<256x8xf32>
    %sub3A_24 = arith.subf %div3A_16, %sub3A_23 : vector<256x8xf32>
    %select_n3A = arith.select %eq3A_21, %sub3A_24, %div3A_16 : vector<256x8xi1>, vector<256x8xf32>
    %argmax3A_25 = tpu.reduce_index %select_n3A {axis = 1 : i32, kind = #tpu.reduction_kind<arg_max>} : vector<256x8xf32> -> vector<256xi32>
    %reshape3A_26 = vector.shape_cast %argmax3A_25 : vector<256xi32> to vector<256x1xi32>
    %reduce_max3A_27 = arith.constant dense<0xFF800000> : vector<256xf32>
    %reduce_max3A_28 = vector.multi_reduction <maximumf>, %select_n3A, %reduce_max3A_27 [1] : vector<256x8xf32> to vector<256xf32>
    %broadcast_in_dim3A_29 = vector.shape_cast %reduce_max3A_28 : vector<256xf32> to vector<256x1xf32>
    %add3A_30 = arith.addf %broadcast_in_dim3A_19, %broadcast_in_dim3A_29 : vector<256x1xf32>
    %eq3A_31 = vector.broadcast %reshape3A : vector<256x1xi32> to vector<256x8xi32>
    %eq3A_32 = arith.cmpi eq, %iota3A, %eq3A_31 : vector<256x8xi32>
    %convert_element_type3A_33 = arith.extui %eq3A_32 : vector<256x8xi1> to vector<256x8xi32>
    %convert_element_type3A_34 = arith.sitofp %convert_element_type3A_33 : vector<256x8xi32> to vector<256x8xf32>
    %eq3A_35 = vector.broadcast %reshape3A_26 : vector<256x1xi32> to vector<256x8xi32>
    %eq3A_36 = arith.cmpi eq, %iota3A, %eq3A_35 : vector<256x8xi32>
    %convert_element_type3A_37 = arith.extui %eq3A_36 : vector<256x8xi1> to vector<256x8xi32>
    %convert_element_type3A_38 = arith.sitofp %convert_element_type3A_37 : vector<256x8xi32> to vector<256x8xf32>
    %iota3A_39 = tpu.iota {dimensions = array<i32: 0>} : vector<256x256xi32>
    %iota3A_40 = tpu.iota {dimensions = array<i32: 1>} : vector<256x256xi32>
    %gt3A = arith.cmpi sgt, %iota3A_39, %iota3A_40 : vector<256x256xi32>
    %convert_element_type3A_41 = arith.extui %gt3A : vector<256x256xi1> to vector<256x256xi32>
    %convert_element_type3A_42 = arith.sitofp %convert_element_type3A_41 : vector<256x256xi32> to vector<256x256xf32>
    %dot_general3A_43 = arith.constant dense<0.000000e+00> : vector<256x8xf32>
    %dot_general3A_44 = tpu.matmul %convert_element_type3A_42, %convert_element_type3A_34, %dot_general3A_43 {dimension_numbers = #tpu.dot_dimension_numbers<[1], [0], [0], [1], [0, 0, 1, 1], [], []>, transpose_lhs_hint = false} : vector<256x256xf32>, vector<256x8xf32>, vector<256x8xf32> -> vector<256x8xf32>
    %reduce_sum3A_45 = arith.constant dense<0.000000e+00> : vector<8xf32>
    %reduce_sum3A_46 = vector.multi_reduction <add>, %convert_element_type3A_34, %reduce_sum3A_45 [0] : vector<256x8xf32> to vector<8xf32>
    %broadcast_in_dim3A_47 = vector.shape_cast %reduce_sum3A_46 : vector<8xf32> to vector<1x8xf32>
    %dot_general3A_48 = arith.constant dense<0.000000e+00> : vector<256x8xf32>
    %dot_general3A_49 = tpu.matmul %convert_element_type3A_42, %convert_element_type3A_38, %dot_general3A_48 {dimension_numbers = #tpu.dot_dimension_numbers<[1], [0], [0], [1], [0, 0, 1, 1], [], []>, transpose_lhs_hint = false} : vector<256x256xf32>, vector<256x8xf32>, vector<256x8xf32> -> vector<256x8xf32>
    %add3A_50 = vector.broadcast %broadcast_in_dim3A_47 : vector<1x8xf32> to vector<256x8xf32>
    %add3A_51 = arith.addf %add3A_50, %dot_general3A_49 : vector<256x8xf32>
    %reduce_sum3A_52 = arith.constant dense<0.000000e+00> : vector<8xf32>
    %reduce_sum3A_53 = vector.multi_reduction <add>, %convert_element_type3A_38, %reduce_sum3A_52 [0] : vector<256x8xf32> to vector<8xf32>
    %broadcast_in_dim3A_54 = vector.shape_cast %reduce_sum3A_53 : vector<8xf32> to vector<1x8xf32>
    %get3A_55 = arith.constant 0 : index
    %get3A_56 = arith.constant 0 : index
    %get3A_57 = vector.load %arg9[%get3A_55, %get3A_56] : memref<1x8xf32, #tpu.memory_space<vmem>>, vector<1x8xf32>
    %add3A_58 = vector.broadcast %get3A_57 : vector<1x8xf32> to vector<256x8xf32>
    %add3A_59 = arith.addf %add3A_58, %dot_general3A_44 : vector<256x8xf32>
    %mul3A = arith.mulf %convert_element_type3A_34, %add3A_59 : vector<256x8xf32>
    %reduce_sum3A_60 = arith.constant dense<0.000000e+00> : vector<256xf32>
    %reduce_sum3A_61 = vector.multi_reduction <add>, %mul3A, %reduce_sum3A_60 [1] : vector<256x8xf32> to vector<256xf32>
    %broadcast_in_dim3A_62 = vector.shape_cast %reduce_sum3A_61 : vector<256xf32> to vector<256x1xf32>
    %add3A_63 = vector.broadcast %get3A_57 : vector<1x8xf32> to vector<256x8xf32>
    %add3A_64 = arith.addf %add3A_63, %add3A_51 : vector<256x8xf32>
    %mul3A_65 = arith.mulf %convert_element_type3A_38, %add3A_64 : vector<256x8xf32>
    %reduce_sum3A_66 = arith.constant dense<0.000000e+00> : vector<256xf32>
    %reduce_sum3A_67 = vector.multi_reduction <add>, %mul3A_65, %reduce_sum3A_66 [1] : vector<256x8xf32> to vector<256xf32>
    %broadcast_in_dim3A_68 = vector.shape_cast %reduce_sum3A_67 : vector<256xf32> to vector<256x1xf32>
    %add3A_69 = arith.addf %get3A_57, %broadcast_in_dim3A_47 : vector<1x8xf32>
    %add3A_70 = arith.addf %add3A_69, %broadcast_in_dim3A_54 : vector<1x8xf32>
    %swap3A = arith.constant 0 : index
    %swap3A_71 = arith.constant 0 : index
    %swap3A_72 = vector.load %arg9[%swap3A, %swap3A_71] : memref<1x8xf32, #tpu.memory_space<vmem>>, vector<1x8xf32>
    tpu.vector_store %arg9[%swap3A, %swap3A_71], %add3A_70 {strides = array<i32>} : memref<1x8xf32, #tpu.memory_space<vmem>>, vector<1x8xf32>,
    %convert_element_type3A_73 = arith.fptosi %add3A_70 : vector<1x8xf32> to vector<1x8xi32>
    %swap3A_74 = arith.constant 0 : index
    %swap3A_75 = arith.constant 0 : index
    %swap3A_76 = vector.load %arg8[%swap3A_74, %swap3A_75] : memref<1x8xi32, #tpu.memory_space<vmem>>, vector<1x8xi32>
    tpu.vector_store %arg8[%swap3A_74, %swap3A_75], %convert_element_type3A_73 {strides = array<i32>} : memref<1x8xi32, #tpu.memory_space<vmem>>, vector<1x8xi32>,
    %slice3A = vector.extract_strided_slice %get3A_3 {offsets = [0, 0], sizes = [256, 384], strides = [1, 1]} : vector<256x768xf32> to vector<256x384xf32>
    %swap3A_77 = arith.constant 0 : index
    %swap3A_78 = arith.constant 0 : index
    %swap3A_79 = arith.constant 0 : index
    %swap3A_80 = vector.load %arg4[%swap3A_77, %swap3A_78, %swap3A_79] : memref<2x256x384xf32, #tpu.memory_space<vmem>>, vector<1x256x384xf32>
    %swap3A_81 = vector.shape_cast %swap3A_80 : vector<1x256x384xf32> to vector<256x384xf32>
    %swap3A_82 = vector.shape_cast %slice3A : vector<256x384xf32> to vector<1x256x384xf32>
    tpu.vector_store %arg4[%swap3A_77, %swap3A_78, %swap3A_79], %swap3A_82 {strides = array<i32>} : memref<2x256x384xf32, #tpu.memory_space<vmem>>, vector<1x256x384xf32>,
    %slice3A_83 = vector.extract_strided_slice %get3A_3 {offsets = [0, 384], sizes = [256, 384], strides = [1, 1]} : vector<256x768xf32> to vector<256x384xf32>
    %swap3A_84 = arith.constant 1 : index
    %swap3A_85 = arith.constant 0 : index
    %swap3A_86 = arith.constant 0 : index
    %swap3A_87 = vector.load %arg4[%swap3A_84, %swap3A_85, %swap3A_86] : memref<2x256x384xf32, #tpu.memory_space<vmem>>, vector<1x256x384xf32>
    %swap3A_88 = vector.shape_cast %swap3A_87 : vector<1x256x384xf32> to vector<256x384xf32>
    %swap3A_89 = vector.shape_cast %slice3A_83 : vector<256x384xf32> to vector<1x256x384xf32>
    tpu.vector_store %arg4[%swap3A_84, %swap3A_85, %swap3A_86], %swap3A_89 {strides = array<i32>} : memref<2x256x384xf32, #tpu.memory_space<vmem>>, vector<1x256x384xf32>,
    %div3A_90 = arith.divf %broadcast_in_dim3A_19, %add3A_30 : vector<256x1xf32>
    %div3A_91 = arith.divf %broadcast_in_dim3A_29, %add3A_30 : vector<256x1xf32>
    %concatenate3A = tpu.concatenate %div3A_90, %div3A_91 in 1 : vector<256x1xf32>, vector<256x1xf32> -> vector<256x2xf32>
    %swap3A_92 = arith.constant 0 : index
    %swap3A_93 = arith.constant 0 : index
    %swap3A_94 = vector.load %arg5[%swap3A_92, %swap3A_93] : memref<256x2xf32, #tpu.memory_space<vmem>>, vector<256x2xf32>
    tpu.vector_store %arg5[%swap3A_92, %swap3A_93], %concatenate3A {strides = array<i32>} : memref<256x2xf32, #tpu.memory_space<vmem>>, vector<256x2xf32>,
    %concatenate3A_95 = tpu.concatenate %reshape3A, %reshape3A_26 in 1 : vector<256x1xi32>, vector<256x1xi32> -> vector<256x2xi32>
    %swap3A_96 = arith.constant 0 : index
    %swap3A_97 = arith.constant 0 : index
    %swap3A_98 = vector.load %arg6[%swap3A_96, %swap3A_97] : memref<256x2xi32, #tpu.memory_space<vmem>>, vector<256x2xi32>
    tpu.vector_store %arg6[%swap3A_96, %swap3A_97], %concatenate3A_95 {strides = array<i32>} : memref<256x2xi32, #tpu.memory_space<vmem>>, vector<256x2xi32>,
    %concatenate3A_99 = tpu.concatenate %broadcast_in_dim3A_62, %broadcast_in_dim3A_68 in 1 : vector<256x1xf32>, vector<256x1xf32> -> vector<256x2xf32>
    %convert_element_type3A_100 = arith.fptosi %concatenate3A_99 : vector<256x2xf32> to vector<256x2xi32>
    %swap3A_101 = arith.constant 0 : index
    %swap3A_102 = arith.constant 0 : index
    %swap3A_103 = vector.load %arg7[%swap3A_101, %swap3A_102] : memref<256x2xi32, #tpu.memory_space<vmem>>, vector<256x2xi32>
    tpu.vector_store %arg7[%swap3A_101, %swap3A_102], %convert_element_type3A_100 {strides = array<i32>} : memref<256x2xi32, #tpu.memory_space<vmem>>, vector<256x2xi32>,
    return
  }
  func.func @transform_0(%arg0: i32) -> (i32, i32) {
    %c0_i32 = arith.constant 0 : i32
    %c0_i32_0 = arith.constant 0 : i32
    return %arg0, %c0_i32 : i32, i32
  }
  func.func @transform_1(%arg0: i32) -> (i32, i32) {
    %c0_i32 = arith.constant 0 : i32
    %c0_i32_0 = arith.constant 0 : i32
    %c0_i32_1 = arith.constant 0 : i32
    return %c0_i32, %c0_i32_0 : i32, i32
  }
  func.func @transform_2(%arg0: i32) -> (i32, i32) {
    %c0_i32 = arith.constant 0 : i32
    %c0_i32_0 = arith.constant 0 : i32
    %c0_i32_1 = arith.constant 0 : i32
    return %c0_i32, %c0_i32_0 : i32, i32
  }
  func.func @transform_3(%arg0: i32) -> (i32, i32, i32) {
    %c0_i32 = arith.constant 0 : i32
    %c0_i32_0 = arith.constant 0 : i32
    %c0_i32_1 = arith.constant 0 : i32
    return %c0_i32, %arg0, %c0_i32_0 : i32, i32, i32
  }
  func.func @transform_4(%arg0: i32) -> (i32, i32) {
    %c0_i32 = arith.constant 0 : i32
    %c0_i32_0 = arith.constant 0 : i32
    return %arg0, %c0_i32 : i32, i32
  }
  func.func @transform_5(%arg0: i32) -> (i32, i32) {
    %c0_i32 = arith.constant 0 : i32
    %c0_i32_0 = arith.constant 0 : i32
    return %arg0, %c0_i32 : i32, i32
  }
  func.func @transform_6(%arg0: i32) -> (i32, i32) {
    %c0_i32 = arith.constant 0 : i32
    %c0_i32_0 = arith.constant 0 : i32
    return %arg0, %c0_i32 : i32, i32
  }
  func.func @transform_7(%arg0: i32) -> (i32, i32) {
    %c0_i32 = arith.constant 0 : i32
    %c0_i32_0 = arith.constant 0 : i32
    %c0_i32_1 = arith.constant 0 : i32
    return %c0_i32, %c0_i32_0 : i32, i32
  }
}

module attributes {stable_mosaic.version = 14 : i64} {
  func.func @_posmap_kernel(%arg0: i32, %arg1: memref<4096x2xi32, #tpu.memory_space<vmem>>, %arg2: memref<4096x2xi32, #tpu.memory_space<vmem>>, %arg3: memref<1x8xi32, #tpu.memory_space<vmem>>, %arg4: memref<4x4096xi32, #tpu.memory_space<vmem>>, %arg5: memref<40x1xi32, #tpu.memory_space<vmem>>) attributes {dimension_semantics = [#tpu.dimension_semantics<arbitrary>], iteration_bounds = array<i64: 1>, scalar_prefetch = 0 : i64, scratch_operands = 0 : i64, tpu.core_type = #tpu.core_type<tc>, window_params = [{pipeline_mode = #tpu.pipeline_mode<synchronous>, transform_indices = @transform_0, window_bounds = array<i64: 4096, 2>}, {pipeline_mode = #tpu.pipeline_mode<synchronous>, transform_indices = @transform_1, window_bounds = array<i64: 4096, 2>}, {pipeline_mode = #tpu.pipeline_mode<synchronous>, transform_indices = @transform_2, window_bounds = array<i64: 1, 8>}, {pipeline_mode = #tpu.pipeline_mode<synchronous>, transform_indices = @transform_3, window_bounds = array<i64: 4, 4096>}, {pipeline_mode = #tpu.pipeline_mode<synchronous>, transform_indices = @transform_4, window_bounds = array<i64: 40, 1>}]} {
    %get3A = arith.constant 0 : index
    %get3A_0 = arith.constant 0 : index
    %get3A_1 = vector.load %arg3[%get3A, %get3A_0] : memref<1x8xi32, #tpu.memory_space<vmem>>, vector<1x8xi32>
    %convert_element_type3A = arith.sitofp %get3A_1 : vector<1x8xi32> to vector<1x8xf32>
    %div3A = arith.constant 2.560000e+02 : f32
    %div3A_2 = vector.broadcast %div3A : f32 to vector<1x8xf32>
    %div3A_3 = arith.divf %convert_element_type3A, %div3A_2 : vector<1x8xf32>
    %ceil3A = math.ceil %div3A_3 : vector<1x8xf32>
    %mul3A = arith.constant 2.560000e+02 : f32
    %mul3A_4 = vector.broadcast %mul3A : f32 to vector<1x8xf32>
    %mul3A_5 = arith.mulf %ceil3A, %mul3A_4 : vector<1x8xf32>
    %iota3A = tpu.iota {dimensions = array<i32: 0>} : vector<8x8xi32>
    %iota3A_6 = tpu.iota {dimensions = array<i32: 1>} : vector<8x8xi32>
    %lt3A = arith.cmpi slt, %iota3A, %iota3A_6 : vector<8x8xi32>
    %convert_element_type3A_7 = arith.extui %lt3A : vector<8x8xi1> to vector<8x8xi32>
    %convert_element_type3A_8 = arith.sitofp %convert_element_type3A_7 : vector<8x8xi32> to vector<8x8xf32>
    %dot_general3A = arith.constant dense<0.000000e+00> : vector<1x8xf32>
    %dot_general3A_9 = tpu.matmul %mul3A_5, %convert_element_type3A_8, %dot_general3A {dimension_numbers = #tpu.dot_dimension_numbers<[1], [0], [0], [1], [0, 0, 1, 1], [], []>, transpose_lhs_hint = false} : vector<1x8xf32>, vector<8x8xf32>, vector<1x8xf32> -> vector<1x8xf32>
    %get3A_10 = arith.constant 0 : index
    %get3A_11 = arith.constant 0 : index
    %get3A_12 = vector.load %arg1[%get3A_10, %get3A_11] : memref<4096x2xi32, #tpu.memory_space<vmem>>, vector<4096x2xi32>
    %iota3A_13 = tpu.iota {dimensions = array<i32: 1>} : vector<4096x8xi32>
    %slice3A = vector.extract_strided_slice %get3A_12 {offsets = [0, 0], sizes = [4096, 1], strides = [1, 1]} : vector<4096x2xi32> to vector<4096x1xi32>
    %eq3A = vector.broadcast %slice3A : vector<4096x1xi32> to vector<4096x8xi32>
    %eq3A_14 = arith.cmpi eq, %eq3A, %iota3A_13 : vector<4096x8xi32>
    %convert_element_type3A_15 = arith.extui %eq3A_14 : vector<4096x8xi1> to vector<4096x8xi32>
    %convert_element_type3A_16 = arith.sitofp %convert_element_type3A_15 : vector<4096x8xi32> to vector<4096x8xf32>
    %slice3A_17 = vector.extract_strided_slice %get3A_12 {offsets = [0, 1], sizes = [4096, 1], strides = [1, 1]} : vector<4096x2xi32> to vector<4096x1xi32>
    %eq3A_18 = vector.broadcast %slice3A_17 : vector<4096x1xi32> to vector<4096x8xi32>
    %eq3A_19 = arith.cmpi eq, %eq3A_18, %iota3A_13 : vector<4096x8xi32>
    %convert_element_type3A_20 = arith.extui %eq3A_19 : vector<4096x8xi1> to vector<4096x8xi32>
    %convert_element_type3A_21 = arith.sitofp %convert_element_type3A_20 : vector<4096x8xi32> to vector<4096x8xf32>
    %reshape3A = vector.shape_cast %dot_general3A_9 : vector<1x8xf32> to vector<8x1xf32>
    %dot_general3A_22 = arith.constant dense<0.000000e+00> : vector<4096x1xf32>
    %dot_general3A_23 = tpu.matmul %convert_element_type3A_16, %reshape3A, %dot_general3A_22 {dimension_numbers = #tpu.dot_dimension_numbers<[1], [0], [0], [1], [0, 0, 1, 1], [], []>, transpose_lhs_hint = false} : vector<4096x8xf32>, vector<8x1xf32>, vector<4096x1xf32> -> vector<4096x1xf32>
    %dot_general3A_24 = arith.constant dense<0.000000e+00> : vector<4096x1xf32>
    %dot_general3A_25 = tpu.matmul %convert_element_type3A_21, %reshape3A, %dot_general3A_24 {dimension_numbers = #tpu.dot_dimension_numbers<[1], [0], [0], [1], [0, 0, 1, 1], [], []>, transpose_lhs_hint = false} : vector<4096x8xf32>, vector<8x1xf32>, vector<4096x1xf32> -> vector<4096x1xf32>
    %get3A_26 = arith.constant 0 : index
    %get3A_27 = arith.constant 0 : index
    %get3A_28 = vector.load %arg2[%get3A_26, %get3A_27] : memref<4096x2xi32, #tpu.memory_space<vmem>>, vector<4096x2xi32>
    %concatenate3A = tpu.concatenate %dot_general3A_23, %dot_general3A_25 in 1 : vector<4096x1xf32>, vector<4096x1xf32> -> vector<4096x2xf32>
    %convert_element_type3A_29 = arith.fptosi %concatenate3A : vector<4096x2xf32> to vector<4096x2xi32>
    %add3A = arith.addi %get3A_28, %convert_element_type3A_29 : vector<4096x2xi32>
    %transpose3A = tpu.transpose %add3A, [1, 0] : vector<4096x2xi32> -> vector<2x4096xi32>
    %add3A_30 = arith.constant 10240 : i32
    %add3A_31 = vector.broadcast %add3A_30 : i32 to vector<2x4096xi32>
    %add3A_32 = arith.addi %transpose3A, %add3A_31 : vector<2x4096xi32>
    %concatenate3A_33 = tpu.concatenate %transpose3A, %add3A_32 in 0 : vector<2x4096xi32>, vector<2x4096xi32> -> vector<4x4096xi32>
    %swap3A = arith.constant 0 : index
    %swap3A_34 = arith.constant 0 : index
    %swap3A_35 = vector.load %arg4[%swap3A, %swap3A_34] : memref<4x4096xi32, #tpu.memory_space<vmem>>, vector<4x4096xi32>
    tpu.vector_store %arg4[%swap3A, %swap3A_34], %concatenate3A_33 {strides = array<i32>} : memref<4x4096xi32, #tpu.memory_space<vmem>>, vector<4x4096xi32>,
    %iota3A_36 = tpu.iota {dimensions = array<i32: 0>} : vector<40x1xi32>
    %mul3A_37 = arith.constant 256 : i32
    %mul3A_38 = vector.broadcast %mul3A_37 : i32 to vector<40x1xi32>
    %mul3A_39 = arith.muli %iota3A_36, %mul3A_38 : vector<40x1xi32>
    %convert_element_type3A_40 = arith.sitofp %mul3A_39 : vector<40x1xi32> to vector<40x1xf32>
    %le3A = vector.broadcast %dot_general3A_9 : vector<1x8xf32> to vector<40x8xf32>
    %le3A_41 = vector.broadcast %convert_element_type3A_40 : vector<40x1xf32> to vector<40x8xf32>
    %le3A_42 = arith.cmpf ole, %le3A, %le3A_41 : vector<40x8xf32>
    %convert_element_type3A_43 = arith.extui %le3A_42 : vector<40x8xi1> to vector<40x8xi32>
    %reduce_sum3A = arith.constant dense<0> : vector<40xi32>
    %reduce_sum3A_44 = vector.multi_reduction <add>, %convert_element_type3A_43, %reduce_sum3A [1] : vector<40x8xi32> to vector<40xi32>
    %broadcast_in_dim3A = vector.shape_cast %reduce_sum3A_44 : vector<40xi32> to vector<40x1xi32>
    %sub3A = arith.constant 1 : i32
    %sub3A_45 = vector.broadcast %sub3A : i32 to vector<40x1xi32>
    %sub3A_46 = arith.subi %broadcast_in_dim3A, %sub3A_45 : vector<40x1xi32>
    %swap3A_47 = arith.constant 0 : index
    %swap3A_48 = arith.constant 0 : index
    %swap3A_49 = vector.load %arg5[%swap3A_47, %swap3A_48] : memref<40x1xi32, #tpu.memory_space<vmem>>, vector<40x1xi32>
    tpu.vector_store %arg5[%swap3A_47, %swap3A_48], %sub3A_46 {strides = array<i32>} : memref<40x1xi32, #tpu.memory_space<vmem>>, vector<40x1xi32>,
    return
  }
  func.func @transform_0(%arg0: i32) -> (i32, i32) {
    %c0_i32 = arith.constant 0 : i32
    %c0_i32_0 = arith.constant 0 : i32
    %c0_i32_1 = arith.constant 0 : i32
    return %c0_i32, %c0_i32_0 : i32, i32
  }
  func.func @transform_1(%arg0: i32) -> (i32, i32) {
    %c0_i32 = arith.constant 0 : i32
    %c0_i32_0 = arith.constant 0 : i32
    %c0_i32_1 = arith.constant 0 : i32
    return %c0_i32, %c0_i32_0 : i32, i32
  }
  func.func @transform_2(%arg0: i32) -> (i32, i32) {
    %c0_i32 = arith.constant 0 : i32
    %c0_i32_0 = arith.constant 0 : i32
    %c0_i32_1 = arith.constant 0 : i32
    return %c0_i32, %c0_i32_0 : i32, i32
  }
  func.func @transform_3(%arg0: i32) -> (i32, i32) {
    %c0_i32 = arith.constant 0 : i32
    %c0_i32_0 = arith.constant 0 : i32
    %c0_i32_1 = arith.constant 0 : i32
    return %c0_i32, %c0_i32_0 : i32, i32
  }
  func.func @transform_4(%arg0: i32) -> (i32, i32) {
    %c0_i32 = arith.constant 0 : i32
    %c0_i32_0 = arith.constant 0 : i32
    %c0_i32_1 = arith.constant 0 : i32
    return %c0_i32, %c0_i32_0 : i32, i32
  }
}

module attributes {stable_mosaic.version = 14 : i64} {
  func.func @_matmul_kernel(%arg0: i32, %arg1: memref<40x1xi32, #tpu.memory_space<smem>>, %arg2: memref<1x256x384xf32, #tpu.memory_space<vmem>>, %arg3: memref<1x256x384xf32, #tpu.memory_space<vmem>>, %arg4: memref<8x768x768xf32, #tpu.memory_space<vmem>>, %arg5: memref<8x768xf32, #tpu.memory_space<vmem>>, %arg6: memref<2x256x384xf32, #tpu.memory_space<vmem>>, %arg7: memref<8x768x768xbf16, #tpu.memory_space<vmem>>) attributes {dimension_semantics = [#tpu.dimension_semantics<arbitrary>], iteration_bounds = array<i64: 40>, scalar_prefetch = 1 : i64, scratch_operands = 1 : i64, tpu.core_type = #tpu.core_type<tc>, window_params = [{transform_indices = @transform_0, window_bounds = array<i64: 1, 256, 384>}, {transform_indices = @transform_1, window_bounds = array<i64: 1, 256, 384>}, {pipeline_mode = #tpu.pipeline_mode<synchronous>, transform_indices = @transform_2, window_bounds = array<i64: 8, 768, 768>}, {pipeline_mode = #tpu.pipeline_mode<synchronous>, transform_indices = @transform_3, window_bounds = array<i64: 8, 768>}, {transform_indices = @transform_4, window_bounds = array<i64: 2, 256, 384>}]} {
    %eq3A = arith.constant 0 : i32
    %eq3A_0 = arith.cmpi eq, %arg0, %eq3A : i32
    %convert_element_type3A = arith.extui %eq3A_0 : i1 to i32
    %cond3A = arith.constant 0 : i32
    %cond3A_1 = arith.cmpi ne, %convert_element_type3A, %cond3A : i32
    scf.if %cond3A_1 {
      %get3A_37 = arith.constant 0 : index
      %get3A_38 = arith.constant 0 : index
      %get3A_39 = arith.constant 0 : index
      %get3A_40 = vector.load %arg4[%get3A_37, %get3A_38, %get3A_39] : memref<8x768x768xf32, #tpu.memory_space<vmem>>, vector<8x768x768xf32>
      %convert_element_type3A_41 = arith.truncf %get3A_40 : vector<8x768x768xf32> to vector<8x768x768xbf16>
      %swap3A_42 = arith.constant 0 : index
      %swap3A_43 = arith.constant 0 : index
      %swap3A_44 = arith.constant 0 : index
      %swap3A_45 = vector.load %arg7[%swap3A_42, %swap3A_43, %swap3A_44] : memref<8x768x768xbf16, #tpu.memory_space<vmem>>, vector<8x768x768xbf16>
      tpu.vector_store %arg7[%swap3A_42, %swap3A_43, %swap3A_44], %convert_element_type3A_41 {strides = array<i32>} : memref<8x768x768xbf16, #tpu.memory_space<vmem>>, vector<8x768x768xbf16>,
    } else {
    }
    %get3A = arith.index_cast %arg0 : i32 to index
    %get3A_2 = arith.constant 0 : index
    %get3A_3 = memref.load %arg1[%get3A, %get3A_2] : memref<40x1xi32, #tpu.memory_space<smem>>
    %get3A_4 = arith.constant 0 : index
    %get3A_5 = arith.constant 0 : index
    %get3A_6 = arith.constant 0 : index
    %get3A_7 = vector.load %arg2[%get3A_4, %get3A_5, %get3A_6] : memref<1x256x384xf32, #tpu.memory_space<vmem>>, vector<1x256x384xf32>
    %get3A_8 = vector.shape_cast %get3A_7 : vector<1x256x384xf32> to vector<256x384xf32>
    %get3A_9 = arith.constant 0 : index
    %get3A_10 = arith.constant 0 : index
    %get3A_11 = arith.constant 0 : index
    %get3A_12 = vector.load %arg3[%get3A_9, %get3A_10, %get3A_11] : memref<1x256x384xf32, #tpu.memory_space<vmem>>, vector<1x256x384xf32>
    %get3A_13 = vector.shape_cast %get3A_12 : vector<1x256x384xf32> to vector<256x384xf32>
    %concatenate3A = tpu.concatenate %get3A_8, %get3A_13 in 1 : vector<256x384xf32>, vector<256x384xf32> -> vector<256x768xf32>
    %convert_element_type3A_14 = arith.truncf %concatenate3A : vector<256x768xf32> to vector<256x768xbf16>
    %get3A_15 = arith.index_cast %get3A_3 : i32 to index
    %get3A_16 = arith.constant 0 : index
    %get3A_17 = arith.constant 0 : index
    %get3A_18 = vector.load %arg7[%get3A_15, %get3A_16, %get3A_17] : memref<8x768x768xbf16, #tpu.memory_space<vmem>>, vector<1x768x768xbf16>
    %get3A_19 = vector.shape_cast %get3A_18 : vector<1x768x768xbf16> to vector<768x768xbf16>
    %dot_general3A = arith.constant dense<0.000000e+00> : vector<256x768xf32>
    %dot_general3A_20 = tpu.matmul %convert_element_type3A_14, %get3A_19, %dot_general3A {dimension_numbers = #tpu.dot_dimension_numbers<[1], [0], [0], [1], [0, 0, 1, 1], [], []>, transpose_lhs_hint = false} : vector<256x768xbf16>, vector<768x768xbf16>, vector<256x768xf32> -> vector<256x768xf32>
    %get3A_21 = arith.index_cast %get3A_3 : i32 to index
    %get3A_22 = arith.constant 0 : index
    %get3A_23 = vector.load %arg5[%get3A_21, %get3A_22] : memref<8x768xf32, #tpu.memory_space<vmem>>, vector<1x768xf32>
    %add3A = vector.broadcast %get3A_23 : vector<1x768xf32> to vector<256x768xf32>
    %add3A_24 = arith.addf %dot_general3A_20, %add3A : vector<256x768xf32>
    %slice3A = vector.extract_strided_slice %add3A_24 {offsets = [0, 0], sizes = [256, 384], strides = [1, 1]} : vector<256x768xf32> to vector<256x384xf32>
    %swap3A = arith.constant 0 : index
    %swap3A_25 = arith.constant 0 : index
    %swap3A_26 = arith.constant 0 : index
    %swap3A_27 = vector.load %arg6[%swap3A, %swap3A_25, %swap3A_26] : memref<2x256x384xf32, #tpu.memory_space<vmem>>, vector<1x256x384xf32>
    %swap3A_28 = vector.shape_cast %swap3A_27 : vector<1x256x384xf32> to vector<256x384xf32>
    %swap3A_29 = vector.shape_cast %slice3A : vector<256x384xf32> to vector<1x256x384xf32>
    tpu.vector_store %arg6[%swap3A, %swap3A_25, %swap3A_26], %swap3A_29 {strides = array<i32>} : memref<2x256x384xf32, #tpu.memory_space<vmem>>, vector<1x256x384xf32>,
    %slice3A_30 = vector.extract_strided_slice %add3A_24 {offsets = [0, 384], sizes = [256, 384], strides = [1, 1]} : vector<256x768xf32> to vector<256x384xf32>
    %swap3A_31 = arith.constant 1 : index
    %swap3A_32 = arith.constant 0 : index
    %swap3A_33 = arith.constant 0 : index
    %swap3A_34 = vector.load %arg6[%swap3A_31, %swap3A_32, %swap3A_33] : memref<2x256x384xf32, #tpu.memory_space<vmem>>, vector<1x256x384xf32>
    %swap3A_35 = vector.shape_cast %swap3A_34 : vector<1x256x384xf32> to vector<256x384xf32>
    %swap3A_36 = vector.shape_cast %slice3A_30 : vector<256x384xf32> to vector<1x256x384xf32>
    tpu.vector_store %arg6[%swap3A_31, %swap3A_32, %swap3A_33], %swap3A_36 {strides = array<i32>} : memref<2x256x384xf32, #tpu.memory_space<vmem>>, vector<1x256x384xf32>,
    return
  }
  func.func @transform_0(%arg0: i32, %arg1: memref<40x1xi32, #tpu.memory_space<smem>>) -> (i32, i32, i32) {
    %c0_i32 = arith.constant 0 : i32
    %c0_i32_0 = arith.constant 0 : i32
    %c0_i32_1 = arith.constant 0 : i32
    return %c0_i32, %arg0, %c0_i32_0 : i32, i32, i32
  }
  func.func @transform_1(%arg0: i32, %arg1: memref<40x1xi32, #tpu.memory_space<smem>>) -> (i32, i32, i32) {
    %c1_i32 = arith.constant 1 : i32
    %c0_i32 = arith.constant 0 : i32
    %c0_i32_0 = arith.constant 0 : i32
    return %c1_i32, %arg0, %c0_i32 : i32, i32, i32
  }
  func.func @transform_2(%arg0: i32, %arg1: memref<40x1xi32, #tpu.memory_space<smem>>) -> (i32, i32, i32) {
    %c0_i32 = arith.constant 0 : i32
    %c0_i32_0 = arith.constant 0 : i32
    %c0_i32_1 = arith.constant 0 : i32
    %c0_i32_2 = arith.constant 0 : i32
    return %c0_i32, %c0_i32_0, %c0_i32_1 : i32, i32, i32
  }
  func.func @transform_3(%arg0: i32, %arg1: memref<40x1xi32, #tpu.memory_space<smem>>) -> (i32, i32) {
    %c0_i32 = arith.constant 0 : i32
    %c0_i32_0 = arith.constant 0 : i32
    %c0_i32_1 = arith.constant 0 : i32
    return %c0_i32, %c0_i32_0 : i32, i32
  }
  func.func @transform_4(%arg0: i32, %arg1: memref<40x1xi32, #tpu.memory_space<smem>>) -> (i32, i32, i32) {
    %c0_i32 = arith.constant 0 : i32
    %c0_i32_0 = arith.constant 0 : i32
    %c0_i32_1 = arith.constant 0 : i32
    return %c0_i32, %arg0, %c0_i32_0 : i32, i32, i32
  }
}

module attributes {stable_mosaic.version = 14 : i64} {
  func.func @_combine_kernel(%arg0: i32, %arg1: memref<1x512x384xf32, #tpu.memory_space<vmem>>, %arg2: memref<1x512x384xf32, #tpu.memory_space<vmem>>, %arg3: memref<1x512x384xf32, #tpu.memory_space<vmem>>, %arg4: memref<1x512x384xf32, #tpu.memory_space<vmem>>, %arg5: memref<512x2xf32, #tpu.memory_space<vmem>>, %arg6: memref<512x768xf32, #tpu.memory_space<vmem>>) attributes {dimension_semantics = [#tpu.dimension_semantics<arbitrary>], iteration_bounds = array<i64: 8>, scalar_prefetch = 0 : i64, scratch_operands = 0 : i64, tpu.core_type = #tpu.core_type<tc>, window_params = [{transform_indices = @transform_0, window_bounds = array<i64: 1, 512, 384>}, {transform_indices = @transform_1, window_bounds = array<i64: 1, 512, 384>}, {transform_indices = @transform_2, window_bounds = array<i64: 1, 512, 384>}, {transform_indices = @transform_3, window_bounds = array<i64: 1, 512, 384>}, {transform_indices = @transform_4, window_bounds = array<i64: 512, 2>}, {transform_indices = @transform_5, window_bounds = array<i64: 512, 768>}]} {
    %get3A = arith.constant 0 : index
    %get3A_0 = arith.constant 0 : index
    %get3A_1 = vector.load %arg5[%get3A, %get3A_0] : memref<512x2xf32, #tpu.memory_space<vmem>>, vector<512x1xf32>
    %get3A_2 = arith.constant 0 : index
    %get3A_3 = arith.constant 1 : index
    %get3A_4 = vector.load %arg5[%get3A_2, %get3A_3] : memref<512x2xf32, #tpu.memory_space<vmem>>, vector<512x1xf32>
    %get3A_5 = arith.constant 0 : index
    %get3A_6 = arith.constant 0 : index
    %get3A_7 = arith.constant 0 : index
    %get3A_8 = vector.load %arg1[%get3A_5, %get3A_6, %get3A_7] : memref<1x512x384xf32, #tpu.memory_space<vmem>>, vector<1x512x384xf32>
    %get3A_9 = vector.shape_cast %get3A_8 : vector<1x512x384xf32> to vector<512x384xf32>
    %mul3A = vector.broadcast %get3A_1 : vector<512x1xf32> to vector<512x384xf32>
    %mul3A_10 = arith.mulf %mul3A, %get3A_9 : vector<512x384xf32>
    %get3A_11 = arith.constant 0 : index
    %get3A_12 = arith.constant 0 : index
    %get3A_13 = arith.constant 0 : index
    %get3A_14 = vector.load %arg2[%get3A_11, %get3A_12, %get3A_13] : memref<1x512x384xf32, #tpu.memory_space<vmem>>, vector<1x512x384xf32>
    %get3A_15 = vector.shape_cast %get3A_14 : vector<1x512x384xf32> to vector<512x384xf32>
    %mul3A_16 = vector.broadcast %get3A_4 : vector<512x1xf32> to vector<512x384xf32>
    %mul3A_17 = arith.mulf %mul3A_16, %get3A_15 : vector<512x384xf32>
    %add3A = arith.addf %mul3A_10, %mul3A_17 : vector<512x384xf32>
    %get3A_18 = arith.constant 0 : index
    %get3A_19 = arith.constant 0 : index
    %get3A_20 = arith.constant 0 : index
    %get3A_21 = vector.load %arg3[%get3A_18, %get3A_19, %get3A_20] : memref<1x512x384xf32, #tpu.memory_space<vmem>>, vector<1x512x384xf32>
    %get3A_22 = vector.shape_cast %get3A_21 : vector<1x512x384xf32> to vector<512x384xf32>
    %mul3A_23 = vector.broadcast %get3A_1 : vector<512x1xf32> to vector<512x384xf32>
    %mul3A_24 = arith.mulf %mul3A_23, %get3A_22 : vector<512x384xf32>
    %get3A_25 = arith.constant 0 : index
    %get3A_26 = arith.constant 0 : index
    %get3A_27 = arith.constant 0 : index
    %get3A_28 = vector.load %arg4[%get3A_25, %get3A_26, %get3A_27] : memref<1x512x384xf32, #tpu.memory_space<vmem>>, vector<1x512x384xf32>
    %get3A_29 = vector.shape_cast %get3A_28 : vector<1x512x384xf32> to vector<512x384xf32>
    %mul3A_30 = vector.broadcast %get3A_4 : vector<512x1xf32> to vector<512x384xf32>
    %mul3A_31 = arith.mulf %mul3A_30, %get3A_29 : vector<512x384xf32>
    %add3A_32 = arith.addf %mul3A_24, %mul3A_31 : vector<512x384xf32>
    %concatenate3A = tpu.concatenate %add3A, %add3A_32 in 1 : vector<512x384xf32>, vector<512x384xf32> -> vector<512x768xf32>
    %swap3A = arith.constant 0 : index
    %swap3A_33 = arith.constant 0 : index
    %swap3A_34 = vector.load %arg6[%swap3A, %swap3A_33] : memref<512x768xf32, #tpu.memory_space<vmem>>, vector<512x768xf32>
    tpu.vector_store %arg6[%swap3A, %swap3A_33], %concatenate3A {strides = array<i32>} : memref<512x768xf32, #tpu.memory_space<vmem>>, vector<512x768xf32>,
    return
  }
  func.func @transform_0(%arg0: i32) -> (i32, i32, i32) {
    %c0_i32 = arith.constant 0 : i32
    %c0_i32_0 = arith.constant 0 : i32
    %c0_i32_1 = arith.constant 0 : i32
    return %c0_i32, %arg0, %c0_i32_0 : i32, i32, i32
  }
  func.func @transform_1(%arg0: i32) -> (i32, i32, i32) {
    %add3A = arith.constant 8 : i32
    %add3A_0 = arith.addi %arg0, %add3A : i32
    %c0_i32 = arith.constant 0 : i32
    %c0_i32_1 = arith.constant 0 : i32
    %c0_i32_2 = arith.constant 0 : i32
    return %c0_i32, %add3A_0, %c0_i32_1 : i32, i32, i32
  }
  func.func @transform_2(%arg0: i32) -> (i32, i32, i32) {
    %c1_i32 = arith.constant 1 : i32
    %c0_i32 = arith.constant 0 : i32
    %c0_i32_0 = arith.constant 0 : i32
    return %c1_i32, %arg0, %c0_i32 : i32, i32, i32
  }
  func.func @transform_3(%arg0: i32) -> (i32, i32, i32) {
    %add3A = arith.constant 8 : i32
    %add3A_0 = arith.addi %arg0, %add3A : i32
    %c1_i32 = arith.constant 1 : i32
    %c0_i32 = arith.constant 0 : i32
    %c0_i32_1 = arith.constant 0 : i32
    return %c1_i32, %add3A_0, %c0_i32 : i32, i32, i32
  }
  func.func @transform_4(%arg0: i32) -> (i32, i32) {
    %c0_i32 = arith.constant 0 : i32
    %c0_i32_0 = arith.constant 0 : i32
    return %arg0, %c0_i32 : i32, i32
  }
  func.func @transform_5(%arg0: i32) -> (i32, i32) {
    %c0_i32 = arith.constant 0 : i32
    %c0_i32_0 = arith.constant 0 : i32
    return %arg0, %c0_i32 : i32, i32
  }
}

</mosaic_0001>

<sc_bundles>
// kernel: kernel.11.cloned.1.call-start
scs
__scs_entry_jumppad:
0x0: {  	(pc) =	sbr.rel $0x88, $3  }
0x1: {  	(tag) =	ssettag $0x0;
	lr =	simm.s32 $0x1  }
0x2: {  	[smem:$0x3F9C] =	sst lr;
	_ =	strace $0xD0000000  }
0x3: {  	_ = 	snop  }
0x4: {  	_ = 	snop  }
0x5: {  	_ = 	snop  }
0x6: {  	_ = 	snop  }
0x7: {  	_ = 	snop  }
__scs_overlays_trampoline_lowered:
0x8: {  	[smem:$0x3FAB] =	sst s0  }
0x9: {  	[smem:$0x3FAC] =	sst s1  }
0xa: {  	[smem:$0x3FAD] =	sst s2  }
0xb: {  	[smem:$0x3FAE] =	sst s3  }
0xc: {  	[smem:$0x3FAF] =	sst s4  }
0xd: {  	[smem:$0x3FB0] =	sst s5  }
0xe: {  	[smem:$0x3FB1] =	sst s6  }
0xf: {  	[smem:$0x3FB2] =	sst s7  }
0x10: {  	[smem:$0x3FB3] =	sst s8  }
0x11: {  	[smem:$0x3FB4] =	sst s9;
	s0 =	simm.s32 @!p0 $0x0  }
0x12: {  	s1 =	sld [smem:$0x3F9A];
	s0 =	simm.s32 @p0 $0x1  }
0x13: {  	[smem:$0x3FB5] =	sst s0;
	s0 =	simm.s32 @!p1 $0x0  }
0x14: {  	s2 =	sld [smem:$0x3F99];
	s0 =	simm.s32 @p1 $0x1  }
0x15: {  	[smem:$0x3FB6] =	sst s0;
	s0 =	simm.s32 @!p2 $0x0  }
0x16: {  	s3 =	sld [smem:$0x3FDB];
	s0 =	simm.s32 @p2 $0x1  }
0x17: {  	s4 =	simm.s32 $0x1BF5;
	[smem:$0x3FB8] =	sst s0  }
0x18: {  	s0 =	sld [smem:$0x3F9B];
	_ =	swait.ge [sflag:s4], $0x0  }
0x19: {  	s7 =	sld [smem:$0x3F9C]  }
0x1a: {  	s8 =	sadd.s32 $0xFFFFE003, lr  }
0x1b: {  	s9 =	sadd.s32 $0xFFFFFEF7, lr;
	s5 =	simm.s32 $0xFFFFFFFF;
	p2 =	slt.u32 s8, $0xFFFFF086  }
0x1c: {  	p1 =	slt.u32 s9, $0xF7A;
	s5 =	simm.s32 @!p2 $0x0  }
0x1d: {  	s5 =	simm.s32 @p1 $0x1;
	p0 =	seq.s32 s7, s2  }
0x1e: {  	s7 =	smul.u32 @!p0 $0xF7A, s2;
	p2 =	seq.s32 @!p0 s5, $0x0  }
0x1f: {  	s9 =	smul.u32 $0xF7A, s1;
	s8 =	simm.s32 @!p0 $0x1BF5;
	p2 =	por !p2, p0  }
0x20: {  	[sflag:s8] =	ssyncset.s32 @!p0 $0xFFFFF086;
	s6 =	sadd.s32 @!p0 s3, s7;
	s7 =	simm.s32 @!p0 $0x108  }
0x21: {  	s3 =	sadd.s32 s3, s9;
	s6 =	sadd.s32 @!p0 $0x88, s6;
	s7 =	simm.s32 @p2 $0x1082  }
0x22: {  	[simem:s7], [sflag:s8] =	dma.local @!p0 [hbm:s6], $0xF7A  }
0x23: {  	s9 =	sor.u32 $0xD0000000, s2;
	s6 =	simm.s32 $0x108;
	_ =	swait.ge @!p0 [sflag:s8], $0x0  }
0x24: {  	s3 =	sadd.s32 $0x88, s3;
	s6 =	simm.s32 @!p1 $0x1082;
	[sflag:s4] =	ssyncset.s32 $0xFFFFF086  }
0x25: {  	[simem:s6], [sflag:s4] =	dma.local [hbm:s3], $0xF7A  }
0x26: {  	[smem:$0x3F9C] =	sst s1;
	(tag) =	ssettag s2;
	_ =	strace s9  }
0x27: {  	s1 =	sld [smem:$0x3FAC]  }
0x28: {  	s2 =	sld [smem:$0x3FAD]  }
0x29: {  	s4 =	sld [smem:$0x3FAF]  }
0x2a: {  	p0 =	seq.s32 s5, $0x0;
	s5 =	sld [smem:$0x3FB0]  }
0x2b: {  	s6 =	sld [smem:$0x3FB1]  }
0x2c: {  	s7 =	sld [smem:$0x3FB2]  }
0x2d: {  	s3 =	simm.s32 $0x108;
	s8 =	sld [smem:$0x3FB3]  }
0x2e: {  	s3 =	simm.s32 @!p0 $0x1082;
	s9 =	sld [smem:$0x3FB4]  }
0x2f: {  	lr =	sadd.s32 s0, s3;
	s0 =	sld [smem:$0x3FAB]  }
0x30: {  	s3 =	sld [smem:$0x3FAE]  }
0x31: {  	[smem:$0x3FB7] =	sst s10  }
0x32: {  	s10 =	sld [smem:$0x3FB5];
	_ =	sdelay $0x3  }
0x33: {  	p0 =	seq.s32 s10, $0x1;
	s10 =	sld [smem:$0x3FB7];
	_ =	sdelay $0x3  }
0x34: {  	[smem:$0x3FB7] =	sst s10  }
0x35: {  	s10 =	sld [smem:$0x3FB6];
	_ =	sdelay $0x3  }
0x36: {  	p1 =	seq.s32 s10, $0x1;
	s10 =	sld [smem:$0x3FB7];
	_ =	sdelay $0x3  }
0x37: {  	[smem:$0x3FB7] =	sst s10  }
0x38: {  	s10 =	sld [smem:$0x3FB8]  }
0x39: {  	_ = 	snop;
	(pc) =	sbr.ind lr, $3  }
0x3a: {  	_ = 	snop  }
0x3b: {  	_ = 	snop  }
0x3c: {  	p2 =	seq.s32 s10, $0x1;
	s10 =	sld [smem:$0x3FB7]  }
0x3d: {  	_ =	shalt  }
0x3e: {  	_ =	shalt  }
0x3f: {  	_ =	shalt  }
0x40: {  	_ =	shalt  }
0x41: {  	_ =	shalt  }
0x42: {  	_ =	shalt  }
0x43: {  	_ =	shalt  }
0x44: {  	_ =	shalt  }
0x45: {  	_ =	shalt  }
0x46: {  	_ =	shalt  }
0x47: {  	_ =	shalt  }
0x48: {  	_ =	shalt  }
0x49: {  	_ =	shalt  }
0x4a: {  	_ =	shalt  }
0x4b: {  	_ =	shalt  }
0x4c: {  	_ =	shalt  }
0x4d: {  	_ =	shalt  }
0x4e: {  	_ =	shalt  }
0x4f: {  	_ =	shalt  }
0x50: {  	_ =	shalt  }
0x51: {  	_ =	shalt  }
0x52: {  	_ =	shalt  }
0x53: {  	_ =	shalt  }
0x54: {  	_ =	shalt  }
0x55: {  	_ =	shalt  }
0x56: {  	_ =	shalt  }
0x57: {  	_ =	shalt  }
0x58: {  	_ =	shalt  }
0x59: {  	_ =	shalt  }
0x5a: {  	_ =	shalt  }
0x5b: {  	_ =	shalt  }
0x5c: {  	_ =	shalt  }
0x5d: {  	_ =	shalt  }
0x5e: {  	_ =	shalt  }
0x5f: {  	_ =	shalt  }
0x60: {  	_ =	shalt  }
0x61: {  	_ =	shalt  }
0x62: {  	_ =	shalt  }
0x63: {  	_ =	shalt  }
0x64: {  	_ =	shalt  }
0x65: {  	_ =	shalt  }
0x66: {  	_ =	shalt  }
0x67: {  	_ =	shalt  }
0x68: {  	_ =	shalt  }
0x69: {  	_ =	shalt  }
0x6a: {  	_ =	shalt  }
0x6b: {  	_ =	shalt  }
0x6c: {  	_ =	shalt  }
0x6d: {  	_ =	shalt  }
0x6e: {  	_ =	shalt  }
0x6f: {  	_ =	shalt  }
0x70: {  	_ =	shalt  }
0x71: {  	_ =	shalt  }
0x72: {  	_ =	shalt  }
0x73: {  	_ =	shalt  }
0x74: {  	_ =	shalt  }
0x75: {  	_ =	shalt  }
0x76: {  	_ =	shalt  }
0x77: {  	_ =	shalt  }
0x78: {  	_ =	shalt  }
0x79: {  	_ =	shalt  }
0x7a: {  	_ =	shalt  }
0x7b: {  	_ =	shalt  }
0x7c: {  	_ =	shalt  }
0x7d: {  	_ =	shalt  }
0x7e: {  	_ =	shalt  }
0x7f: {  	_ =	shalt  }
0x80: {  	_ =	shalt  }
0x81: {  	_ =	shalt  }
0x82: {  	_ =	shalt  }
0x83: {  	_ =	shalt  }
0x84: {  	_ =	shalt  }
0x85: {  	_ =	shalt  }
0x86: {  	_ =	shalt  }
0x87: {  	_ =	shalt  }
.Lfunc_end0:
.L_simem_size_0:
called_computation.1_lowered:
.L_overlay_start_0:
0x88: {  	s2 =	sld [smem:$0x3FD9]  }
0x89: {  	s3 =	sld [smem:$0x3FFE];
	_ =	sdelay $0x1  }
0x8a: {  	s1 =	srdreg.scid  }
0x8b: {  	s0 =	sand.u32 $0x1, s1  }
0x8c: {  	s16 =	sshll.u32 s0, $0xA;
	s2 =	sadd.s32 s3, s2  }
0x8d: {  	s2 =	sadd.s32 s2, s16  }
0x8e: {  	[smem:$0x3FC3] =	sst s2  }
0x8f: {  	_ = 	snop  }
0x90: {  	(tm) =	ssettm $0x1  }
0x91: {  	s17 =	sld [smem:$0x3FFB];
	_ =	sdelay $0x3  }
0x92: {  	_ =	strace s17  }
0x93: {  	s2 =	sld [smem:$0x3FFC];
	_ =	sdelay $0x3  }
0x94: {  	_ =	strace s2  }
0x95: {  	s2 =	sld [smem:$0x3FFD];
	_ =	sdelay $0x3  }
0x96: {  	_ =	strace s2  }
0x97: {  	_ =	strace $0x8FFFFFFF  }
0x98: {  	s18 =	sld [smem:$0x3FDB];
	_ =	sdelay $0x1  }
0x99: {  	s19 =	simm.s32 $_scs_section_size  }
0x9a: {  	s4 =	simm.s32 $_size__tile_overlayer_lowered;
	s5 =	simm.s32 $_tile_overlayer_lowered  }
0x9b: {  	s22 =	simm.s32 $0x1BFF;
	s21 =	sshll.u32 s5, $0x1;
	s2 =	sadd.s32 s19, s18  }
0x9c: {  	s6 =	simm.s32 $0x0;
	s20 =	sshll.u32 s4, $0x1;
	s4 =	sadd.s32 s21, s2  }
0x9d: {  	[timem:s6], [sflag:s22] =	dma.local [hbm:s4], s20  }
0x9e: {  	_ =	swait.ge [sflag:s22], s20  }
0x9f: {  	s3 =	ssub.s32 $0x0, s20;
	[sflag:s22] =	ssyncset.done $0x0  }
0xa0: {  	[sflag:s22] =	ssyncadd.s32 s3;
	_ =	sdelay $0x1  }
0xa1: {  	s23 =	simm.s32 $0x1B8B  }
0xa2: {  	_ =	swait.ge [sflag:s23], $0x1  }
0xa3: {  	[sflag:s23] =	ssyncset.done $0x0  }
0xa4: {  	s25 =	simm.s32 $0x1B8E;
	s24 =	sld [smem:$0x3FFE];
	[sflag:s23] =	ssyncadd.s32 $0xFFFFFFFF  }
0xa5: {  	s26 =	simm.s32 $execute0_lowered;
	[smem:$0x3FD2] =	sst s25  }
0xa6: {  	s4 =	sshll.u32 s26, $0x1;
	_ =	strace $0x8000004F;
	[dreg:$0x1] =	wrdreg $0xFFFFFFFF  }
0xa7: {  	s28 =	simm.s32 $_size_execute0_lowered;
	s2 =	sadd.s32 s2, s4;
	[dreg:$0x0] =	wrdreg $0x0  }
0xa8: {  	s4 =	sshll.u32 s28, $0x1;
	[dreg:$0x2] =	wrdreg s2  }
0xa9: {  	[dreg:$0x3] =	wrdreg s4  }
0xaa: {  	[dreg:$0x4] =	wrdreg $0xC0  }
0xab: {  	_ =	task [dreg:s6], $0x5FFFF  }
0xac: {  	[dreg:$0x1] =	wrdreg $0xFFFFFFFF  }
0xad: {  	[dreg:$0x0] =	wrdreg $0x60  }
0xae: {  	[dreg:$0x2] =	wrdreg s24  }
0xaf: {  	[dreg:$0x3] =	wrdreg $0x9  }
0xb0: {  	_ =	task.clear_ibuf [dreg:s6], $0x4FFFF;
	_ =	strace $0x9000004F  }
0xb1: {  	s29 =	simm.s32 $0x9;
	_ =	strace $0x80000058  }
0xb2: {  	_ =	swait.ge [sflag:s29], $0x1  }
0xb3: {  	[sflag:s29] =	ssyncadd.s32 $0xFFFFFFFF  }
0xb4: {  	_ =	strace $0x90000058  }
0xb5: {  	_ =	sfence  }
0xb6: {  	s30 =	sld [smem:$0x0];
	_ =	sdelay $0x2  }
0xb7: {  	s31 =	sshll.u32 s1, $0xD;
	s1 =	sshrl.u32 s1, $0x2  }
0xb8: {  	s3 =	sand.u32 $0x4000, s31;
	s1 =	sadd.s32 s1, s30  }
0xb9: {  	s0 =	sor.u32 s3, s0;
	s1 =	sshll.u32 s1, $0x11  }
0xba: {  	s0 =	sor.u32 s1, s0  }
0xbb: {  	s0 =	sadd.s32 $0x8F2B, s0  }
0xbc: {  	[sflag:s0] =	ssyncadd.remote.s32 $0x1  }
0xbd: {  	_ =	sfence.sel $0xFFFF  }
0xbe: {  	[dreg:$0x0] =	wrdreg $0xFFFFFFFF;
	(pc) =	sbr.abs _section_cstart, $3  }
0xbf: {  	[dreg:$0x1] =	wrdreg $0xFFFFFFFF  }
0xc0: {  	_ =	task.clear_ibuf [dreg:s6], $0x2FFFF;
	_ =	strace $0x9FFFFFFF  }
0xc1: {  	(tm) =	ssettm $0x7FFFFFFF  }
tec
execute0_lowered:
.L_overlay_start_1:
0x0: {  	(tag) =	ssettag $0x1  }
0x1: {  	s7 =	rddreg [dreg:$0x0]  }
0x2: {  	s0 =	rddreg [dreg:$0x1];
	s1 =	simm.s32 $0x0;
	s3 =	srdreg.scid  }
0x3: {  	s9 =	simm.s32 $0x5;
	s10 =	simm.s32 $0x4;
	s11 =	simm.s32 $0x0  }
0x4: {  	[smem:$0x7FF] =	sst s1;
	s2 =	sadd.s32 $0xF3A00, s7;
	s4 =	sadd.s32 $0xF3200, s7  }
0x5: {  	s5 =	sadd.s32 $0x2A00, s7;
	s6 =	sand.u32 $0x1, s3;
	s3 =	stileid.u32  }
0x6: {  	_ =	strace $0x80000050;
	s8 =	ssub.s32 $0x2, s6;
	s6 =	sshll.u32 s6, $0x4  }
0x7: {  	v2 =	vlaneseq.u32;
	[dreg:$0x2] =	wrdreg s5;
	s31 =	sshrl.u32 s8, $0x1;
	s6 =	sor.u32 s3, s6  }
0x8: {  	vm0 =	vmmov $0xffff;
	vm1 =	vmmov $0xff;
	v1 =	vshrl.u32 v2, $0x3;
	s8 =	ssub.s32 s8, s31;
	s5 =	sshll.u32 s6, $0x1;
	s6 =	sshll.u32 s6, $0x6  }
0x9: {  	s7 =	sadd.s32 $0xF3B00, s7;
	v0 =	vand.u32 $0x7, v2;
	v2 =	vor.u32 $0x8, v2;
	v1 =	vmul.u32 $0x8, v1;
	s6 =	sadd.s32 s4, s6;
	s8 =	smax.u32 s8, $0x1  }
.LBB2_1:
0xa: {  	_ =	strace $0x80000051;
	s12 =	simm.s32 $0x4;
	s13 =	simm.s32 $0x0  }
0xb: {  	s15 =	simm.s32 $0x0;
	s14 =	simm.s32 $0x0;
	s16 =	simm.s32 $0x0  }
0xc: {  	[tilespmem:s1], [sflag:$0x1] =	stream.linear.gather [hbm4b:s6+s1], $0x80, $0x200038;
	[tilespmem:$0x18100] =	vst v63  }
0xd: {  	s17 =	simm.s32 $0x0;
	s18 =	simm.s32 $0x1;
	_ =	strace $0x90000051  }
.LBB2_2:
0xe: {  	s19 =	smov.u32 s13;
	s13 =	sadd.s32 $0x1, s13  }
0xf: {  	s21 =	simm.s32 $0x1;
	p0 =	seq.s32 s13, $0x2  }
0x10: {  	s21 =	simm.s32 @!p0 $0x0  }
0x11: {  	s20 =	smov.u32 s15;
	s15 =	sadd.s32 s21, s15  }
0x12: {  	p1 =	seq.s32 s15, $0x2  }
0x13: {  	s13 =	simm.s32 @p0 $0x0;
	s15 =	simm.s32 @p1 $0x0  }
0x14: {  	p5 =	sne.s32 s19, s13;
	p4 =	sne.s32 s20, s15  }
0x15: {  	p6 =	sne.s32 s12, $0x1;
	p1 =	por p5, p4  }
0x16: {  	p0 =	por !p6, !p1  }
0x17: {  	p0 =	por !p0, !p0  }
0x18: {  	s21 =	sshll.u32 @p0 s15, $0xD;
	s22 =	sadd.s32 @p0 s5, s13  }
0x19: {  	s23 =	sshll.u32 @p0 s15, $0x7;
	s21 =	sand.u32 @p0 $0xFFFFC000, s21;
	s22 =	sshll.u32 @p0 s22, $0x8  }
0x1a: {  	s21 =	sadd.s32 @p0 s22, s21;
	s22 =	sand.u32 @p0 $0x80, s23  }
0x1b: {  	_ =	strace @p0 $0x80000052;
	s21 =	sor.u32 @p0 s22, s21  }
0x1c: {  	s24 =	simm.s32 @p0 $0x0;
	s22 =	sand.u32 @p0 $0x1, s18;
	s21 =	sshrl.u32 @p0 s21, $0x3  }
0x1d: {  	s23 =	sshll.u32 @p0 s22, $0x7;
	s22 =	sadd.s32 @p0 $0x1, s22;
	s21 =	sadd.s32 @p0 s4, s21  }
0x1e: {  	[tilespmem:s23], [sflag:s22] =	stream.linear.gather @p0 [hbm4b:s21+s24], $0x80, $0x200038;
	[tilespmem:$0x18100] =	vst v63  }
0x1f: {  	s24 =	sand.u32 $0x1, s17;
	_ =	strace @p0 $0x90000052  }
0x20: {  	s21 =	sadd.s32 $0x1, s24;
	_ =	strace $0x80000053  }
0x21: {  	_ =	swait.ge [sflag:s21], $0x80  }
0x22: {  	[sflag:s21] =	ssyncset.done $0x0  }
0x23: {  	[sflag:s21] =	ssyncadd.s32 $0xFFFFFF80  }
0x24: {  	s25 =	sshll.u32 s17, $0x7;
	_ =	strace $0x90000053  }
0x25: {  	s24 =	sand.u32 $0x80, s25;
	_ =	strace $0x80000054  }
0x26: {  	v3 =	vld [tilespmem:s24+$0x0];
	_ =	sdelay $0x4  }
0x27: {  	v4 =	vshrl.u32 v3, $0x3  }
0x28: {  	v4 =	vmul.u32 $0x18, v4  }
0x29: {  	v3 =	vand.u32 $0x7, v3  }
0x2a: {  	v3 =	vor.u32 v3, v4  }
0x2b: {  	v4 =	vperm.xlane v3, v0;
	_ =	sdelay $0x1  }
0x2c: {  	s21 =	sand.u32 $0x1, s16;
	v4 =	vadd.s32 v1, v4  }
0x2d: {  	s26 =	smul.u32 $0x30000, s21  }
0x2e: {  	v3 =	vperm.xlane v3, v2  }
0x2f: {  	s23 =	sshrl.u32 s26, $0x2  }
0x30: {  	s22 =	sor.u32 $0x100, s23;
	v3 =	vadd.s32 v1, v3  }
0x31: {  	[tilespmem:s22], [sflag:$0x5] =	stream.indirect_vreg.gather [hbm4b:s2+s1], $0x80, v4, vm0, $0x2000b8;
	[tilespmem:$0x18100] =	vst v63  }
0x32: {  	s25 =	sor.u32 $0x900, s23  }
0x33: {  	[tilespmem:s25], [sflag:$0x5] =	stream.indirect_vreg.gather [hbm4b:s7+s1], $0x80, v4, vm1, $0x2000b8;
	[tilespmem:$0x18100] =	vst v63  }
0x34: {  	s28 =	sor.u32 $0xD00, s23  }
0x35: {  	[tilespmem:s28], [sflag:$0x5] =	stream.indirect_vreg.gather [hbm4b:s2+s1], $0x80, v3, vm0, $0x2000b8;
	[tilespmem:$0x18100] =	vst v63  }
0x36: {  	s29 =	sor.u32 $0x1500, s23  }
0x37: {  	[tilespmem:s29], [sflag:$0x5] =	stream.indirect_vreg.gather [hbm4b:s7+s1], $0x80, v3, vm1, $0x2000b8;
	[tilespmem:$0x18100] =	vst v63  }
0x38: {  	v3 =	vld [tilespmem:s24+$0x10];
	_ =	sdelay $0x4  }
0x39: {  	v57 =	vshrl.u32 v3, $0x3  }
0x3a: {  	v4 =	vmul.u32 $0x18, v57  }
0x3b: {  	v3 =	vand.u32 $0x7, v3  }
0x3c: {  	v3 =	vor.u32 v3, v4  }
0x3d: {  	v4 =	vperm.xlane v3, v0;
	_ =	sdelay $0x1  }
0x3e: {  	v4 =	vadd.s32 v1, v4;
	_ =	sdelay $0x1  }
0x3f: {  	v3 =	vperm.xlane v3, v2;
	_ =	sdelay $0x1  }
0x40: {  	s30 =	sor.u32 $0x1900, s23;
	v3 =	vadd.s32 v1, v3  }
0x41: {  	[tilespmem:s30], [sflag:$0x5] =	stream.indirect_vreg.gather [hbm4b:s2+s1], $0x80, v4, vm0, $0x2000b8;
	[tilespmem:$0x18100] =	vst v63  }
0x42: {  	s31 =	sor.u32 $0x2100, s23  }
0x43: {  	[tilespmem:s31], [sflag:$0x5] =	stream.indirect_vreg.gather [hbm4b:s7+s1], $0x80, v4, vm1, $0x2000b8;
	[tilespmem:$0x18100] =	vst v63  }
0x44: {  	s26 =	sor.u32 $0x2500, s23  }
0x45: {  	[tilespmem:s26], [sflag:$0x5] =	stream.indirect_vreg.gather [hbm4b:s2+s1], $0x80, v3, vm0, $0x2000b8;
	[tilespmem:$0x18100] =	vst v63  }
0x46: {  	s28 =	sor.u32 $0x2D00, s23  }
0x47: {  	[tilespmem:s28], [sflag:$0x5] =	stream.indirect_vreg.gather [hbm4b:s7+s1], $0x80, v3, vm1, $0x2000b8;
	[tilespmem:$0x18100] =	vst v63  }
0x48: {  	v3 =	vld [tilespmem:s24+$0x20];
	_ =	sdelay $0x4  }
0x49: {  	v58 =	vshrl.u32 v3, $0x3  }
0x4a: {  	v4 =	vmul.u32 $0x18, v58  }
0x4b: {  	v3 =	vand.u32 $0x7, v3  }
0x4c: {  	v3 =	vor.u32 v3, v4  }
0x4d: {  	v4 =	vperm.xlane v3, v0;
	_ =	sdelay $0x1  }
0x4e: {  	v4 =	vadd.s32 v1, v4;
	_ =	sdelay $0x1  }
0x4f: {  	v3 =	vperm.xlane v3, v2;
	_ =	sdelay $0x1  }
0x50: {  	s29 =	sor.u32 $0x3100, s23;
	v3 =	vadd.s32 v1, v3  }
0x51: {  	[tilespmem:s29], [sflag:$0x5] =	stream.indirect_vreg.gather [hbm4b:s2+s1], $0x80, v4, vm0, $0x2000b8;
	[tilespmem:$0x18100] =	vst v63  }
0x52: {  	s30 =	sor.u32 $0x3900, s23  }
0x53: {  	[tilespmem:s30], [sflag:$0x5] =	stream.indirect_vreg.gather [hbm4b:s7+s1], $0x80, v4, vm1, $0x2000b8;
	[tilespmem:$0x18100] =	vst v63  }
0x54: {  	s31 =	sor.u32 $0x3D00, s23  }
0x55: {  	[tilespmem:s31], [sflag:$0x5] =	stream.indirect_vreg.gather [hbm4b:s2+s1], $0x80, v3, vm0, $0x2000b8;
	[tilespmem:$0x18100] =	vst v63  }
0x56: {  	s26 =	sadd.s32 $0x4500, s23  }
0x57: {  	[tilespmem:s26], [sflag:$0x5] =	stream.indirect_vreg.gather [hbm4b:s7+s1], $0x80, v3, vm1, $0x2000b8;
	[tilespmem:$0x18100] =	vst v63  }
0x58: {  	v3 =	vld [tilespmem:s24+$0x30];
	_ =	sdelay $0x4  }
0x59: {  	v59 =	vshrl.u32 v3, $0x3  }
0x5a: {  	v4 =	vmul.u32 $0x18, v59  }
0x5b: {  	v3 =	vand.u32 $0x7, v3  }
0x5c: {  	v3 =	vor.u32 v3, v4  }
0x5d: {  	v4 =	vperm.xlane v3, v0;
	_ =	sdelay $0x1  }
0x5e: {  	v4 =	vadd.s32 v1, v4;
	_ =	sdelay $0x1  }
0x5f: {  	v3 =	vperm.xlane v3, v2;
	_ =	sdelay $0x1  }
0x60: {  	s28 =	sadd.s32 $0x4900, s23;
	v3 =	vadd.s32 v1, v3  }
0x61: {  	[tilespmem:s28], [sflag:$0x5] =	stream.indirect_vreg.gather [hbm4b:s2+s1], $0x80, v4, vm0, $0x2000b8;
	[tilespmem:$0x18100] =	vst v63  }
0x62: {  	s29 =	sadd.s32 $0x5100, s23  }
0x63: {  	[tilespmem:s29], [sflag:$0x5] =	stream.indirect_vreg.gather [hbm4b:s7+s1], $0x80, v4, vm1, $0x2000b8;
	[tilespmem:$0x18100] =	vst v63  }
0x64: {  	s30 =	sadd.s32 $0x5500, s23  }
0x65: {  	[tilespmem:s30], [sflag:$0x5] =	stream.indirect_vreg.gather [hbm4b:s2+s1], $0x80, v3, vm0, $0x2000b8;
	[tilespmem:$0x18100] =	vst v63  }
0x66: {  	s31 =	sadd.s32 $0x5D00, s23  }
0x67: {  	[tilespmem:s31], [sflag:$0x5] =	stream.indirect_vreg.gather [hbm4b:s7+s1], $0x80, v3, vm1, $0x2000b8;
	[tilespmem:$0x18100] =	vst v63  }
0x68: {  	v3 =	vld [tilespmem:s24+$0x40];
	_ =	sdelay $0x4  }
0x69: {  	v60 =	vshrl.u32 v3, $0x3  }
0x6a: {  	v4 =	vmul.u32 $0x18, v60  }
0x6b: {  	v3 =	vand.u32 $0x7, v3  }
0x6c: {  	v3 =	vor.u32 v3, v4  }
0x6d: {  	v4 =	vperm.xlane v3, v0;
	_ =	sdelay $0x1  }
0x6e: {  	v4 =	vadd.s32 v1, v4;
	_ =	sdelay $0x1  }
0x6f: {  	v3 =	vperm.xlane v3, v2;
	_ =	sdelay $0x1  }
0x70: {  	s26 =	sadd.s32 $0x6100, s23;
	v3 =	vadd.s32 v1, v3  }
0x71: {  	[tilespmem:s26], [sflag:$0x5] =	stream.indirect_vreg.gather [hbm4b:s2+s1], $0x80, v4, vm0, $0x2000b8;
	[tilespmem:$0x18100] =	vst v63  }
0x72: {  	s28 =	sadd.s32 $0x6900, s23  }
0x73: {  	[tilespmem:s28], [sflag:$0x5] =	stream.indirect_vreg.gather [hbm4b:s7+s1], $0x80, v4, vm1, $0x2000b8;
	[tilespmem:$0x18100] =	vst v63  }
0x74: {  	s29 =	sadd.s32 $0x6D00, s23  }
0x75: {  	[tilespmem:s29], [sflag:$0x5] =	stream.indirect_vreg.gather [hbm4b:s2+s1], $0x80, v3, vm0, $0x2000b8;
	[tilespmem:$0x18100] =	vst v63  }
0x76: {  	s30 =	sadd.s32 $0x7500, s23  }
0x77: {  	[tilespmem:s30], [sflag:$0x5] =	stream.indirect_vreg.gather [hbm4b:s7+s1], $0x80, v3, vm1, $0x2000b8;
	[tilespmem:$0x18100] =	vst v63  }
0x78: {  	v3 =	vld [tilespmem:s24+$0x50];
	_ =	sdelay $0x4  }
0x79: {  	v61 =	vshrl.u32 v3, $0x3  }
0x7a: {  	v4 =	vmul.u32 $0x18, v61  }
0x7b: {  	v3 =	vand.u32 $0x7, v3  }
0x7c: {  	v3 =	vor.u32 v3, v4  }
0x7d: {  	v4 =	vperm.xlane v3, v0;
	_ =	sdelay $0x1  }
0x7e: {  	v4 =	vadd.s32 v1, v4;
	_ =	sdelay $0x1  }
0x7f: {  	v3 =	vperm.xlane v3, v2;
	_ =	sdelay $0x1  }
0x80: {  	s31 =	sadd.s32 $0x7900, s23;
	v3 =	vadd.s32 v1, v3  }
0x81: {  	[tilespmem:s31], [sflag:$0x5] =	stream.indirect_vreg.gather [hbm4b:s2+s1], $0x80, v4, vm0, $0x2000b8;
	[tilespmem:$0x18100] =	vst v63  }
0x82: {  	s26 =	sadd.s32 $0x8100, s23  }
0x83: {  	[tilespmem:s26], [sflag:$0x5] =	stream.indirect_vreg.gather [hbm4b:s7+s1], $0x80, v4, vm1, $0x2000b8;
	[tilespmem:$0x18100] =	vst v63  }
0x84: {  	s28 =	sadd.s32 $0x8500, s23  }
0x85: {  	[tilespmem:s28], [sflag:$0x5] =	stream.indirect_vreg.gather [hbm4b:s2+s1], $0x80, v3, vm0, $0x2000b8;
	[tilespmem:$0x18100] =	vst v63  }
0x86: {  	s29 =	sadd.s32 $0x8D00, s23  }
0x87: {  	[tilespmem:s29], [sflag:$0x5] =	stream.indirect_vreg.gather [hbm4b:s7+s1], $0x80, v3, vm1, $0x2000b8;
	[tilespmem:$0x18100] =	vst v63  }
0x88: {  	v3 =	vld [tilespmem:s24+$0x60];
	_ =	sdelay $0x4  }
0x89: {  	v62 =	vshrl.u32 v3, $0x3  }
0x8a: {  	v4 =	vmul.u32 $0x18, v62  }
0x8b: {  	v3 =	vand.u32 $0x7, v3  }
0x8c: {  	v3 =	vor.u32 v3, v4  }
0x8d: {  	v4 =	vperm.xlane v3, v0;
	_ =	sdelay $0x1  }
0x8e: {  	v4 =	vadd.s32 v1, v4;
	_ =	sdelay $0x1  }
0x8f: {  	v3 =	vperm.xlane v3, v2;
	_ =	sdelay $0x1  }
0x90: {  	s30 =	sadd.s32 $0x9100, s23;
	v3 =	vadd.s32 v1, v3  }
0x91: {  	[tilespmem:s30], [sflag:$0x5] =	stream.indirect_vreg.gather [hbm4b:s2+s1], $0x80, v4, vm0, $0x2000b8;
	[tilespmem:$0x18100] =	vst v63  }
0x92: {  	s31 =	sadd.s32 $0x9900, s23  }
0x93: {  	[tilespmem:s31], [sflag:$0x5] =	stream.indirect_vreg.gather [hbm4b:s7+s1], $0x80, v4, vm1, $0x2000b8;
	[tilespmem:$0x18100] =	vst v63  }
0x94: {  	s26 =	sadd.s32 $0x9D00, s23  }
0x95: {  	[tilespmem:s26], [sflag:$0x5] =	stream.indirect_vreg.gather [hbm4b:s2+s1], $0x80, v3, vm0, $0x2000b8;
	[tilespmem:$0x18100] =	vst v63  }
0x96: {  	s28 =	sadd.s32 $0xA500, s23  }
0x97: {  	[tilespmem:s28], [sflag:$0x5] =	stream.indirect_vreg.gather [hbm4b:s7+s1], $0x80, v3, vm1, $0x2000b8;
	[tilespmem:$0x18100] =	vst v63  }
0x98: {  	v3 =	vld [tilespmem:s24+$0x70];
	_ =	sdelay $0x4  }
0x99: {  	v63 =	vshrl.u32 v3, $0x3  }
0x9a: {  	v4 =	vmul.u32 $0x18, v63  }
0x9b: {  	v3 =	vand.u32 $0x7, v3  }
0x9c: {  	v3 =	vor.u32 v3, v4  }
0x9d: {  	v4 =	vperm.xlane v3, v0;
	_ =	sdelay $0x1  }
0x9e: {  	v4 =	vadd.s32 v1, v4;
	_ =	sdelay $0x1  }
0x9f: {  	v3 =	vperm.xlane v3, v2;
	_ =	sdelay $0x1  }
0xa0: {  	s29 =	sadd.s32 $0xA900, s23;
	v3 =	vadd.s32 v1, v3  }
0xa1: {  	[tilespmem:s29], [sflag:$0x5] =	stream.indirect_vreg.gather [hbm4b:s2+s1], $0x80, v4, vm0, $0x2000b8;
	[tilespmem:$0x18100] =	vst v63  }
0xa2: {  	s30 =	sadd.s32 $0xB100, s23  }
0xa3: {  	[tilespmem:s30], [sflag:$0x5] =	stream.indirect_vreg.gather [hbm4b:s7+s1], $0x80, v4, vm1, $0x2000b8;
	[tilespmem:$0x18100] =	vst v63  }
0xa4: {  	p2 =	seq.s32 s12, $0x1;
	s31 =	sadd.s32 $0xB500, s23  }
0xa5: {  	[tilespmem:s31], [sflag:$0x5] =	stream.indirect_vreg.gather [hbm4b:s2+s1], $0x80, v3, vm0, $0x2000b8;
	[tilespmem:$0x18100] =	vst v63  }
0xa6: {  	p1 =	por p2, p1;
	s23 =	sadd.s32 $0xBD00, s23  }
0xa7: {  	[tilespmem:s23], [sflag:$0x5] =	stream.indirect_vreg.gather [hbm4b:s7+s1], $0x80, v3, vm1, $0x2000b8;
	[tilespmem:$0x18100] =	vst v63  }
0xa8: {  	s19 =	sadd.s32 s5, s19;
	s20 =	smul.u32 @p1 $0x300000, s20;
	_ =	swait.ge [sflag:s9], $0xC000  }
0xa9: {  	s19 =	smul.u32 @p1 $0xC000, s19;
	[sflag:s9] =	ssyncset.done $0x0  }
0xaa: {  	[sflag:s9] =	ssyncadd.s32 $0xFFFF4000  }
0xab: {  	s19 =	sadd.s32 @p1 s20, s19;
	_ =	strace $0x90000054  }
0xac: {  	s19 =	sshrl.u32 @p1 s19, $0x3;
	s20 =	sadd.s32 @p1 $0x3, s21;
	_ =	strace @p1 $0x80000055  }
0xad: {  	s21 =	simm.s32 @p1 $0x0;
	s24 =	simm.s32 $0x1;
	s23 =	rddreg [dreg:$0x2]  }
0xae: {  	s24 =	simm.s32 @!p0 $0x0;
	p0 =	seq.s32 s12, $0x4;
	s19 =	sadd.s32 @p1 s23, s19  }
0xaf: {  	[hbm4b:s19+s21] =	stream.linear.scatter @p1 [tilespmem:s22], [sflag:s20], $0xC000, $0x200038;
	[tilespmem:$0x18100] =	vst v63  }
0xb0: {  	s19 =	simm.s32 $0x1;
	s21 =	simm.s32 $0x1;
	_ =	strace @p1 $0x90000055  }
0xb1: {  	s19 =	simm.s32 @!p1 $0x0;
	p1 =	sne.s32 s12, $0x4;
	s12 =	sadd.s32 $0xFFFFFFFF, s12  }
0xb2: {  	s20 =	sand.u32 @!p0 $0x1, s14;
	s21 =	simm.s32 @!p1 $0x0;
	p1 =	sne.s32 s12, $0x0  }
.Ltmp0:
0xb3: {  	s20 =	sadd.s32 @!p0 $0x3, s20;
	_ =	strace @!p0 $0x80000056;
	(pc) =	sbr.rel @p1 .LBB2_2-.Ltmp0, $4  }
0xb4: {  	_ =	swait.ge @!p0 [sflag:s20], $0xC000  }
0xb5: {  	[sflag:s20] =	ssyncset.done @!p0 $0x0  }
0xb6: {  	s18 =	sadd.s32 s24, s18;
	s16 =	sadd.s32 s19, s16;
	[sflag:s20] =	ssyncadd.s32 @!p0 $0xFFFF4000  }
0xb7: {  	s17 =	sadd.s32 s19, s17;
	s14 =	sadd.s32 s21, s14;
	_ =	strace @!p0 $0x90000056  }
0xb8: {  	s11 =	sadd.s32 $0x1, s11  }
0xb9: {  	p0 =	sne.s32 s11, s8  }
.Ltmp1:
0xba: {  	_ =	strace $0x80000057;
	(pc) =	sbr.rel @p0 .LBB2_1-.Ltmp1, $4  }
0xbb: {  	_ =	swait.ge [sflag:s10], $0xC000  }
0xbc: {  	[sflag:s10] =	ssyncset.done $0x0  }
0xbd: {  	[sflag:s10] =	ssyncadd.s32 $0xFFFF4000  }
0xbe: {  	_ =	strace $0x90000057  }
0xbf: {  	_ =	sfence.sel $0x180000  }
0xc0: {  	[bflag:$0x0] =	sbarrier.arrive $0xFFFF  }
0xc1: {  	p0 =	sne.s32 s3, $0x0;
	_ =	strace $0x90000050  }
0xc2: {  	s0 =	sadd.s32 @!p0 $0x100000, s0;
	[bflag:$0x2] =	sbarrier.arrive $0xFFFF  }
0xc3: {  	[sflag:s0] =	ssyncadd.tile.s32 @!p0 $0x1;
	_ =	shalt  }
.Lfunc_end2:
_tile_overlayer_lowered:
.L_overlay_start_2:
0xc4: {  	(tag) =	ssettag $0x2  }
0xc5: {  	s0 =	rddreg [dreg:$0x0];
	s2 =	stileid.u32  }
0xc6: {  	s1 =	rddreg [dreg:$0x1];
	p0 =	sne.s32 s2, $0x0  }
0xc7: {  	s3 =	rddreg [dreg:$0x2];
	[bflag:$0x3] =	sbarrier.arrive $0xFFFF;
	s2 =	simm.s32 @!p0 $0x1C01  }
0xc8: {  	[timem:s3], [sflag:s2] =	dma.local @!p0 [hbm:s0], s1  }
0xc9: {  	s0 =	simm.s32 @!p0 $0x1  }
0xca: {  	_ =	swait.ge @!p0 [sflag:s0], s1  }
0xcb: {  	s1 =	ssub.s32 @!p0 $0x0, s1;
	[sflag:s0] =	ssyncset.done @!p0 $0x0  }
0xcc: {  	[sflag:s0] =	ssyncadd.s32 @!p0 s1  }
0xcd: {  	[bflag:$0x3] =	sbarrier.arrive $0xFFFF  }
0xce: {  	_ =	shalt  }

// kernel: kernel.8.cloned.1.call-start
scs
__scs_entry_jumppad:
0x0: {  	(pc) =	sbr.rel $0x88, $3  }
0x1: {  	(tag) =	ssettag $0x0;
	lr =	simm.s32 $0x1  }
0x2: {  	[smem:$0x3F9C] =	sst lr;
	_ =	strace $0xD0000000  }
0x3: {  	_ = 	snop  }
0x4: {  	_ = 	snop  }
0x5: {  	_ = 	snop  }
0x6: {  	_ = 	snop  }
0x7: {  	_ = 	snop  }
__scs_overlays_trampoline_lowered:
0x8: {  	[smem:$0x3FAB] =	sst s0  }
0x9: {  	[smem:$0x3FAC] =	sst s1  }
0xa: {  	[smem:$0x3FAD] =	sst s2  }
0xb: {  	[smem:$0x3FAE] =	sst s3  }
0xc: {  	[smem:$0x3FAF] =	sst s4  }
0xd: {  	[smem:$0x3FB0] =	sst s5  }
0xe: {  	[smem:$0x3FB1] =	sst s6  }
0xf: {  	[smem:$0x3FB2] =	sst s7  }
0x10: {  	[smem:$0x3FB3] =	sst s8  }
0x11: {  	[smem:$0x3FB4] =	sst s9;
	s0 =	simm.s32 @!p0 $0x0  }
0x12: {  	s1 =	sld [smem:$0x3F9A];
	s0 =	simm.s32 @p0 $0x1  }
0x13: {  	[smem:$0x3FB5] =	sst s0;
	s0 =	simm.s32 @!p1 $0x0  }
0x14: {  	s2 =	sld [smem:$0x3F99];
	s0 =	simm.s32 @p1 $0x1  }
0x15: {  	[smem:$0x3FB6] =	sst s0;
	s0 =	simm.s32 @!p2 $0x0  }
0x16: {  	s3 =	sld [smem:$0x3FDB];
	s0 =	simm.s32 @p2 $0x1  }
0x17: {  	s4 =	simm.s32 $0x1BF5;
	[smem:$0x3FB8] =	sst s0  }
0x18: {  	s0 =	sld [smem:$0x3F9B];
	_ =	swait.ge [sflag:s4], $0x0  }
0x19: {  	s7 =	sld [smem:$0x3F9C]  }
0x1a: {  	s8 =	sadd.s32 $0xFFFFE003, lr  }
0x1b: {  	s9 =	sadd.s32 $0xFFFFFEF7, lr;
	s5 =	simm.s32 $0xFFFFFFFF;
	p2 =	slt.u32 s8, $0xFFFFF086  }
0x1c: {  	p1 =	slt.u32 s9, $0xF7A;
	s5 =	simm.s32 @!p2 $0x0  }
0x1d: {  	s5 =	simm.s32 @p1 $0x1;
	p0 =	seq.s32 s7, s2  }
0x1e: {  	s7 =	smul.u32 @!p0 $0xF7A, s2;
	p2 =	seq.s32 @!p0 s5, $0x0  }
0x1f: {  	s9 =	smul.u32 $0xF7A, s1;
	s8 =	simm.s32 @!p0 $0x1BF5;
	p2 =	por !p2, p0  }
0x20: {  	[sflag:s8] =	ssyncset.s32 @!p0 $0xFFFFF086;
	s6 =	sadd.s32 @!p0 s3, s7;
	s7 =	simm.s32 @!p0 $0x108  }
0x21: {  	s3 =	sadd.s32 s3, s9;
	s6 =	sadd.s32 @!p0 $0x88, s6;
	s7 =	simm.s32 @p2 $0x1082  }
0x22: {  	[simem:s7], [sflag:s8] =	dma.local @!p0 [hbm:s6], $0xF7A  }
0x23: {  	s9 =	sor.u32 $0xD0000000, s2;
	s6 =	simm.s32 $0x108;
	_ =	swait.ge @!p0 [sflag:s8], $0x0  }
0x24: {  	s3 =	sadd.s32 $0x88, s3;
	s6 =	simm.s32 @!p1 $0x1082;
	[sflag:s4] =	ssyncset.s32 $0xFFFFF086  }
0x25: {  	[simem:s6], [sflag:s4] =	dma.local [hbm:s3], $0xF7A  }
0x26: {  	[smem:$0x3F9C] =	sst s1;
	(tag) =	ssettag s2;
	_ =	strace s9  }
0x27: {  	s1 =	sld [smem:$0x3FAC]  }
0x28: {  	s2 =	sld [smem:$0x3FAD]  }
0x29: {  	s4 =	sld [smem:$0x3FAF]  }
0x2a: {  	p0 =	seq.s32 s5, $0x0;
	s5 =	sld [smem:$0x3FB0]  }
0x2b: {  	s6 =	sld [smem:$0x3FB1]  }
0x2c: {  	s7 =	sld [smem:$0x3FB2]  }
0x2d: {  	s3 =	simm.s32 $0x108;
	s8 =	sld [smem:$0x3FB3]  }
0x2e: {  	s3 =	simm.s32 @!p0 $0x1082;
	s9 =	sld [smem:$0x3FB4]  }
0x2f: {  	lr =	sadd.s32 s0, s3;
	s0 =	sld [smem:$0x3FAB]  }
0x30: {  	s3 =	sld [smem:$0x3FAE]  }
0x31: {  	[smem:$0x3FB7] =	sst s10  }
0x32: {  	s10 =	sld [smem:$0x3FB5];
	_ =	sdelay $0x3  }
0x33: {  	p0 =	seq.s32 s10, $0x1;
	s10 =	sld [smem:$0x3FB7];
	_ =	sdelay $0x3  }
0x34: {  	[smem:$0x3FB7] =	sst s10  }
0x35: {  	s10 =	sld [smem:$0x3FB6];
	_ =	sdelay $0x3  }
0x36: {  	p1 =	seq.s32 s10, $0x1;
	s10 =	sld [smem:$0x3FB7];
	_ =	sdelay $0x3  }
0x37: {  	[smem:$0x3FB7] =	sst s10  }
0x38: {  	s10 =	sld [smem:$0x3FB8]  }
0x39: {  	_ = 	snop;
	(pc) =	sbr.ind lr, $3  }
0x3a: {  	_ = 	snop  }
0x3b: {  	_ = 	snop  }
0x3c: {  	p2 =	seq.s32 s10, $0x1;
	s10 =	sld [smem:$0x3FB7]  }
0x3d: {  	_ =	shalt  }
0x3e: {  	_ =	shalt  }
0x3f: {  	_ =	shalt  }
0x40: {  	_ =	shalt  }
0x41: {  	_ =	shalt  }
0x42: {  	_ =	shalt  }
0x43: {  	_ =	shalt  }
0x44: {  	_ =	shalt  }
0x45: {  	_ =	shalt  }
0x46: {  	_ =	shalt  }
0x47: {  	_ =	shalt  }
0x48: {  	_ =	shalt  }
0x49: {  	_ =	shalt  }
0x4a: {  	_ =	shalt  }
0x4b: {  	_ =	shalt  }
0x4c: {  	_ =	shalt  }
0x4d: {  	_ =	shalt  }
0x4e: {  	_ =	shalt  }
0x4f: {  	_ =	shalt  }
0x50: {  	_ =	shalt  }
0x51: {  	_ =	shalt  }
0x52: {  	_ =	shalt  }
0x53: {  	_ =	shalt  }
0x54: {  	_ =	shalt  }
0x55: {  	_ =	shalt  }
0x56: {  	_ =	shalt  }
0x57: {  	_ =	shalt  }
0x58: {  	_ =	shalt  }
0x59: {  	_ =	shalt  }
0x5a: {  	_ =	shalt  }
0x5b: {  	_ =	shalt  }
0x5c: {  	_ =	shalt  }
0x5d: {  	_ =	shalt  }
0x5e: {  	_ =	shalt  }
0x5f: {  	_ =	shalt  }
0x60: {  	_ =	shalt  }
0x61: {  	_ =	shalt  }
0x62: {  	_ =	shalt  }
0x63: {  	_ =	shalt  }
0x64: {  	_ =	shalt  }
0x65: {  	_ =	shalt  }
0x66: {  	_ =	shalt  }
0x67: {  	_ =	shalt  }
0x68: {  	_ =	shalt  }
0x69: {  	_ =	shalt  }
0x6a: {  	_ =	shalt  }
0x6b: {  	_ =	shalt  }
0x6c: {  	_ =	shalt  }
0x6d: {  	_ =	shalt  }
0x6e: {  	_ =	shalt  }
0x6f: {  	_ =	shalt  }
0x70: {  	_ =	shalt  }
0x71: {  	_ =	shalt  }
0x72: {  	_ =	shalt  }
0x73: {  	_ =	shalt  }
0x74: {  	_ =	shalt  }
0x75: {  	_ =	shalt  }
0x76: {  	_ =	shalt  }
0x77: {  	_ =	shalt  }
0x78: {  	_ =	shalt  }
0x79: {  	_ =	shalt  }
0x7a: {  	_ =	shalt  }
0x7b: {  	_ =	shalt  }
0x7c: {  	_ =	shalt  }
0x7d: {  	_ =	shalt  }
0x7e: {  	_ =	shalt  }
0x7f: {  	_ =	shalt  }
0x80: {  	_ =	shalt  }
0x81: {  	_ =	shalt  }
0x82: {  	_ =	shalt  }
0x83: {  	_ =	shalt  }
0x84: {  	_ =	shalt  }
0x85: {  	_ =	shalt  }
0x86: {  	_ =	shalt  }
0x87: {  	_ =	shalt  }
.Lfunc_end0:
.L_simem_size_0:
called_computation_lowered:
.L_overlay_start_0:
0x88: {  	s2 =	sld [smem:$0x3FD9]  }
0x89: {  	s3 =	sld [smem:$0x3FFE];
	_ =	sdelay $0x1  }
0x8a: {  	s1 =	srdreg.scid  }
0x8b: {  	s0 =	sand.u32 $0x1, s1  }
0x8c: {  	s17 =	sshll.u32 s0, $0xA;
	s2 =	sadd.s32 s3, s2  }
0x8d: {  	s2 =	sadd.s32 s2, s17  }
0x8e: {  	[smem:$0x3FC3] =	sst s2  }
0x8f: {  	_ = 	snop  }
0x90: {  	s2 =	sld [smem:$0x3FD0];
	(tm) =	ssettm $0x1  }
0x91: {  	s18 =	sld [smem:$0x3FFB];
	_ =	sdelay $0x3  }
0x92: {  	_ =	strace s18  }
0x93: {  	s3 =	sld [smem:$0x3FFC];
	_ =	sdelay $0x3  }
0x94: {  	_ =	strace s3  }
0x95: {  	s3 =	sld [smem:$0x3FFD];
	_ =	sdelay $0x3  }
0x96: {  	_ =	strace s3  }
0x97: {  	_ =	strace $0x8FFFFFFF  }
0x98: {  	s19 =	sld [smem:$0x3FDB];
	_ =	sdelay $0x1  }
0x99: {  	s4 =	simm.s32 $_scs_section_size  }
0x9a: {  	s5 =	simm.s32 $_size__tile_overlayer_lowered;
	s6 =	simm.s32 $_tile_overlayer_lowered  }
0x9b: {  	s22 =	simm.s32 $0x1BFF;
	s21 =	sshll.u32 s6, $0x1;
	s3 =	sadd.s32 s4, s19  }
0x9c: {  	s7 =	simm.s32 $0x0;
	s20 =	sshll.u32 s5, $0x1;
	s5 =	sadd.s32 s21, s3  }
0x9d: {  	[timem:s7], [sflag:s22] =	dma.local [hbm:s5], s20  }
0x9e: {  	_ =	swait.ge [sflag:s22], s20  }
0x9f: {  	s4 =	ssub.s32 $0x0, s20;
	[sflag:s22] =	ssyncset.done $0x0  }
0xa0: {  	[sflag:s22] =	ssyncadd.s32 s4;
	_ =	sdelay $0x1  }
0xa1: {  	s23 =	simm.s32 $0x1B8B  }
0xa2: {  	_ =	swait.ge [sflag:s23], $0x1  }
0xa3: {  	[sflag:s23] =	ssyncset.done $0x0  }
0xa4: {  	s25 =	simm.s32 $0x1B8E;
	s24 =	sld [smem:$0x3FFE];
	[sflag:s23] =	ssyncadd.s32 $0xFFFFFFFF  }
0xa5: {  	s26 =	simm.s32 $execute0_lowered;
	[smem:$0x3FD2] =	sst s25  }
0xa6: {  	s5 =	sshll.u32 s26, $0x1;
	_ =	strace $0x80000046;
	[dreg:$0x1] =	wrdreg $0xFFFFFFFF  }
0xa7: {  	s28 =	simm.s32 $_size_execute0_lowered;
	s3 =	sadd.s32 s3, s5;
	[dreg:$0x0] =	wrdreg $0x0  }
0xa8: {  	s5 =	sshll.u32 s28, $0x1;
	[dreg:$0x2] =	wrdreg s3  }
0xa9: {  	[dreg:$0x3] =	wrdreg s5  }
0xaa: {  	[dreg:$0x4] =	wrdreg $0xC0  }
0xab: {  	_ =	task [dreg:s7], $0x5FFFF  }
0xac: {  	[dreg:$0x1] =	wrdreg $0xFFFFFFFF  }
0xad: {  	[dreg:$0x0] =	wrdreg $0x60  }
0xae: {  	[dreg:$0x2] =	wrdreg s2  }
0xaf: {  	[dreg:$0x3] =	wrdreg s24  }
0xb0: {  	[dreg:$0x4] =	wrdreg $0x9  }
0xb1: {  	_ =	task.clear_ibuf [dreg:s7], $0x5FFFF;
	_ =	strace $0x90000046  }
0xb2: {  	s29 =	simm.s32 $0x9;
	_ =	strace $0x8000004E  }
0xb3: {  	_ =	swait.ge [sflag:s29], $0x1  }
0xb4: {  	[sflag:s29] =	ssyncadd.s32 $0xFFFFFFFF  }
0xb5: {  	_ =	strace $0x9000004E  }
0xb6: {  	_ =	sfence  }
0xb7: {  	s30 =	sld [smem:$0x0];
	_ =	sdelay $0x2  }
0xb8: {  	s31 =	sshll.u32 s1, $0xD;
	s1 =	sshrl.u32 s1, $0x2  }
0xb9: {  	s3 =	sand.u32 $0x4000, s31;
	s1 =	sadd.s32 s1, s30  }
0xba: {  	s0 =	sor.u32 s3, s0;
	s1 =	sshll.u32 s1, $0x11  }
0xbb: {  	s0 =	sor.u32 s1, s0  }
0xbc: {  	s0 =	sadd.s32 $0x8F2B, s0  }
0xbd: {  	[sflag:s0] =	ssyncadd.remote.s32 $0x1  }
0xbe: {  	_ =	sfence.sel $0xFFFF  }
0xbf: {  	[dreg:$0x0] =	wrdreg $0xFFFFFFFF;
	(pc) =	sbr.abs _section_cstart, $3  }
0xc0: {  	[dreg:$0x1] =	wrdreg $0xFFFFFFFF  }
0xc1: {  	_ =	task.clear_ibuf [dreg:s7], $0x2FFFF;
	_ =	strace $0x9FFFFFFF  }
0xc2: {  	(tm) =	ssettm $0x7FFFFFFF  }
0xc3: {  	_ =	shalt  }
tec
execute0_lowered:
.L_overlay_start_1:
0x0: {  	(tag) =	ssettag $0x1  }
0x1: {  	s1 =	srdreg.scid;
	s2 =	rddreg [dreg:$0x0]  }
0x2: {  	s0 =	stileid.u32;
	s10 =	rddreg [dreg:$0x1];
	s12 =	simm.s32 $0x18000  }
0x3: {  	s13 =	simm.s32 $0x5;
	s14 =	simm.s32 $0x0;
	s4 =	sand.u32 $0x1, s1  }
0x4: {  	s3 =	sshll.u32 s0, $0x7;
	s6 =	sadd.s32 $0x3200, s10;
	s1 =	sshll.u32 s4, $0xB  }
0x5: {  	s7 =	ssub.s32 $0x2, s4;
	s9 =	sor.u32 s3, s1;
	s1 =	rddreg [dreg:$0x2]  }
0x6: {  	s3 =	simm.s32 $0x0;
	s8 =	sshrl.u32 s7, $0x1;
	s5 =	sshrl.u32 s9, $0x3  }
0x7: {  	[smem:$0x7FF] =	sst s3;
	s11 =	ssub.s32 s7, s8;
	s4 =	smul.u32 $0xC00, s5  }
0x8: {  	v2 =	vlaneseq.u32;
	s8 =	sshll.u32 s9, $0x2;
	s9 =	sshrl.u32 s9, $0x1;
	_ =	strace $0x80000047  }
0x9: {  	vm0 =	vmmov $0xffff;
	vm1 =	vmmov $0xff;
	v1 =	vshrl.u32 v2, $0x3;
	s5 =	sadd.s32 $0x2A00, s10;
	s10 =	sadd.s32 $0x3300, s10;
	s31 =	sshrl.u32 s4, $0x3  }
0xa: {  	v0 =	vand.u32 $0x7, v2;
	v2 =	vor.u32 $0x8, v2;
	v1 =	vmul.u32 $0x8, v1;
	s11 =	smax.u32 s11, $0x1;
	s9 =	sadd.s32 s5, s9;
	s7 =	sadd.s32 s2, s31  }
.LBB2_1:
0xb: {  	_ =	strace $0x80000048;
	s15 =	simm.s32 $0x4;
	s22 =	simm.s32 $0x0  }
0xc: {  	[tilespmem:s3], [sflag:$0x1] =	stream.linear.gather [hbm4b:s7+s3], $0xC000, $0x200038;
	[tilespmem:$0x18100] =	vst v63  }
0xd: {  	s17 =	simm.s32 $0x0;
	s16 =	simm.s32 $0x0;
	s18 =	simm.s32 $0x1  }
0xe: {  	[tilespmem:s12], [sflag:$0x3] =	stream.linear.gather [hbm4b:s9+s3], $0x80, $0x200038;
	[tilespmem:$0x18100] =	vst v63  }
0xf: {  	s19 =	simm.s32 $0x0;
	s20 =	simm.s32 $0x1;
	_ =	strace $0x90000048  }
.LBB2_2:
0x10: {  	s21 =	sadd.s32 $0x1, s22  }
0x11: {  	s23 =	simm.s32 $0x1;
	p2 =	seq.s32 s21, $0x2  }
0x12: {  	s23 =	simm.s32 @!p2 $0x0  }
0x13: {  	s24 =	smov.u32 s17;
	s17 =	sadd.s32 s23, s17  }
0x14: {  	p0 =	seq.s32 s17, $0x2  }
0x15: {  	s17 =	simm.s32 @p0 $0x0  }
0x16: {  	p3 =	sne.s32 s15, $0x1;
	p0 =	sne.s32 s24, s17  }
0x17: {  	p1 =	por !p3, !p0  }
0x18: {  	p1 =	por !p1, !p1  }
0x19: {  	s23 =	smul.u32 @p1 $0x180000, s17  }
0x1a: {  	s30 =	sshll.u32 s24, $0x1;
	s21 =	simm.s32 @p2 $0x0;
	s25 =	sand.u32 @p1 $0x1, s20  }
0x1b: {  	s31 =	sshll.u32 s17, $0x1;
	s26 =	smul.u32 @p1 $0x30000, s25;
	s23 =	sadd.s32 @p1 s4, s23  }
0x1c: {  	_ =	strace @p1 $0x80000049;
	s28 =	simm.s32 @p1 $0x0;
	s23 =	sshrl.u32 @p1 s23, $0x3  }
0x1d: {  	s25 =	sadd.s32 @p1 $0x1, s25;
	s26 =	sshrl.u32 @p1 s26, $0x2;
	s23 =	sadd.s32 @p1 s2, s23  }
0x1e: {  	[tilespmem:s26], [sflag:s25] =	stream.linear.gather @p1 [hbm4b:s23+s28], $0xC000, $0x200038;
	[tilespmem:$0x18100] =	vst v63  }
0x1f: {  	p4 =	seq.s32 s22, $0x0;
	s23 =	sadd.s32 s22, s30;
	s26 =	sadd.s32 s21, s31  }
0x20: {  	s25 =	simm.s32 $0x1;
	s22 =	sadd.s32 $0xFFFFFFFF, s22;
	p2 =	sne.s32 s23, s26  }
0x21: {  	s25 =	simm.s32 @!p4 $0x0;
	_ =	strace @p1 $0x90000049;
	p3 =	por !p3, !p2  }
0x22: {  	s22 =	simm.s32 @p4 $0x1;
	s25 =	ssub.s32 s24, s25;
	p3 =	por !p3, !p3  }
0x23: {  	p5 =	seq.s32 s25, $0xFFFFFFFF;
	s28 =	sshll.u32 @p3 s26, $0xC;
	s26 =	sshll.u32 @p3 s26, $0x7  }
0x24: {  	s29 =	sand.u32 @p3 $0x1, s18;
	_ =	strace @p3 $0x8000004A;
	s28 =	sand.u32 @p3 $0xFFFFC000, s28  }
0x25: {  	s30 =	simm.s32 @p3 $0x0;
	s26 =	sand.u32 @p3 $0x180, s26;
	s28 =	sor.u32 @p3 s8, s28  }
0x26: {  	s25 =	simm.s32 @p5 $0x1;
	p5 =	seq.s32 s15, $0x4;
	s26 =	sor.u32 @p3 s26, s28  }
0x27: {  	p6 =	seq.s32 @!p5 s24, s25;
	s28 =	sshll.u32 @p3 s29, $0x7;
	s26 =	sshrl.u32 @p3 s26, $0x3  }
0x28: {  	s29 =	sadd.s32 @p3 $0x3, s29;
	s28 =	sor.u32 @p3 $0x18000, s28;
	s26 =	sadd.s32 @p3 s5, s26  }
0x29: {  	[tilespmem:s28], [sflag:s29] =	stream.linear.gather @p3 [hbm4b:s26+s30], $0x80, $0x200038;
	[tilespmem:$0x18100] =	vst v63  }
0x2a: {  	s24 =	sand.u32 $0x1, s19;
	p6 =	por p5, !p6;
	_ =	strace @p3 $0x9000004A  }
0x2b: {  	s25 =	sshll.u32 s25, $0x1;
	s26 =	sadd.s32 @p6 $0x1, s24;
	_ =	strace @p6 $0x8000004B  }
0x2c: {  	s22 =	sadd.s32 s22, s25;
	_ =	swait.ge @p6 [sflag:s26], $0xC000  }
0x2d: {  	p4 =	seq.s32 @!p5 s23, s22;
	[sflag:s26] =	ssyncset.done @p6 $0x0  }
0x2e: {  	p4 =	por p5, !p4;
	[sflag:s26] =	ssyncadd.s32 @p6 $0xFFFF4000  }
0x2f: {  	s22 =	sand.u32 @p4 $0x1, s16;
	_ =	strace @p6 $0x9000004B  }
0x30: {  	s22 =	sadd.s32 @p4 $0x3, s22;
	_ =	strace @p4 $0x8000004C  }
0x31: {  	_ =	swait.ge @p4 [sflag:s22], $0x80  }
0x32: {  	[sflag:s22] =	ssyncset.done @p4 $0x0  }
0x33: {  	[sflag:s22] =	ssyncadd.s32 @p4 $0xFFFFFF80  }
0x34: {  	s23 =	sshll.u32 s16, $0x7;
	_ =	strace @p4 $0x9000004C  }
0x35: {  	s23 =	sand.u32 $0x80, s23;
	_ =	strace $0x8000004D  }
0x36: {  	v3 =	vld [tilespmem:s23+$0x18000];
	_ =	sdelay $0x4  }
0x37: {  	v4 =	vshrl.u32 v3, $0x3  }
0x38: {  	v4 =	vmul.u32 $0x18, v4  }
0x39: {  	v3 =	vand.u32 $0x7, v3  }
0x3a: {  	v3 =	vor.u32 v3, v4  }
0x3b: {  	v4 =	vperm.xlane v3, v0;
	_ =	sdelay $0x1  }
0x3c: {  	v4 =	vadd.s32 v1, v4;
	_ =	sdelay $0x1  }
0x3d: {  	v3 =	vperm.xlane v3, v2  }
0x3e: {  	s22 =	simm.s32 $0xC000;
	p4 =	seq.s32 s24, $0x1  }
0x3f: {  	s22 =	simm.s32 @!p4 $0x0;
	v3 =	vadd.s32 v1, v3  }
0x40: {  	[hbm4b:s6+s3] =	stream.indirect_vreg.scatter [tilespmem:s22], [sflag:$0x5], $0x80, v4, vm0, $0x2000b8;
	[tilespmem:$0x18100] =	vst v63  }
0x41: {  	s25 =	sor.u32 $0x800, s22  }
0x42: {  	[hbm4b:s10+s3] =	stream.indirect_vreg.scatter [tilespmem:s25], [sflag:$0x5], $0x80, v4, vm1, $0x2000b8;
	[tilespmem:$0x18100] =	vst v63  }
0x43: {  	s26 =	sor.u32 $0xC00, s22  }
0x44: {  	[hbm4b:s6+s3] =	stream.indirect_vreg.scatter [tilespmem:s26], [sflag:$0x5], $0x80, v3, vm0, $0x2000b8;
	[tilespmem:$0x18100] =	vst v63  }
0x45: {  	s28 =	sor.u32 $0x1400, s22  }
0x46: {  	[hbm4b:s10+s3] =	stream.indirect_vreg.scatter [tilespmem:s28], [sflag:$0x5], $0x80, v3, vm1, $0x2000b8;
	[tilespmem:$0x18100] =	vst v63  }
0x47: {  	v3 =	vld [tilespmem:s23+$0x18010];
	_ =	sdelay $0x4  }
0x48: {  	v57 =	vshrl.u32 v3, $0x3  }
0x49: {  	v4 =	vmul.u32 $0x18, v57  }
0x4a: {  	v3 =	vand.u32 $0x7, v3  }
0x4b: {  	v3 =	vor.u32 v3, v4  }
0x4c: {  	v4 =	vperm.xlane v3, v0;
	_ =	sdelay $0x1  }
0x4d: {  	v4 =	vadd.s32 v1, v4;
	_ =	sdelay $0x1  }
0x4e: {  	v3 =	vperm.xlane v3, v2;
	_ =	sdelay $0x1  }
0x4f: {  	s29 =	sor.u32 $0x1800, s22;
	v3 =	vadd.s32 v1, v3  }
0x50: {  	[hbm4b:s6+s3] =	stream.indirect_vreg.scatter [tilespmem:s29], [sflag:$0x5], $0x80, v4, vm0, $0x2000b8;
	[tilespmem:$0x18100] =	vst v63  }
0x51: {  	s30 =	sor.u32 $0x2000, s22  }
0x52: {  	[hbm4b:s10+s3] =	stream.indirect_vreg.scatter [tilespmem:s30], [sflag:$0x5], $0x80, v4, vm1, $0x2000b8;
	[tilespmem:$0x18100] =	vst v63  }
0x53: {  	s31 =	sor.u32 $0x2400, s22  }
0x54: {  	[hbm4b:s6+s3] =	stream.indirect_vreg.scatter [tilespmem:s31], [sflag:$0x5], $0x80, v3, vm0, $0x2000b8;
	[tilespmem:$0x18100] =	vst v63  }
0x55: {  	s25 =	sor.u32 $0x2C00, s22  }
0x56: {  	[hbm4b:s10+s3] =	stream.indirect_vreg.scatter [tilespmem:s25], [sflag:$0x5], $0x80, v3, vm1, $0x2000b8;
	[tilespmem:$0x18100] =	vst v63  }
0x57: {  	v3 =	vld [tilespmem:s23+$0x18020];
	_ =	sdelay $0x4  }
0x58: {  	v58 =	vshrl.u32 v3, $0x3  }
0x59: {  	v4 =	vmul.u32 $0x18, v58  }
0x5a: {  	v3 =	vand.u32 $0x7, v3  }
0x5b: {  	v3 =	vor.u32 v3, v4  }
0x5c: {  	v4 =	vperm.xlane v3, v0;
	_ =	sdelay $0x1  }
0x5d: {  	v4 =	vadd.s32 v1, v4;
	_ =	sdelay $0x1  }
0x5e: {  	v3 =	vperm.xlane v3, v2;
	_ =	sdelay $0x1  }
0x5f: {  	s26 =	sor.u32 $0x3000, s22;
	v3 =	vadd.s32 v1, v3  }
0x60: {  	[hbm4b:s6+s3] =	stream.indirect_vreg.scatter [tilespmem:s26], [sflag:$0x5], $0x80, v4, vm0, $0x2000b8;
	[tilespmem:$0x18100] =	vst v63  }
0x61: {  	s28 =	sor.u32 $0x3800, s22  }
0x62: {  	[hbm4b:s10+s3] =	stream.indirect_vreg.scatter [tilespmem:s28], [sflag:$0x5], $0x80, v4, vm1, $0x2000b8;
	[tilespmem:$0x18100] =	vst v63  }
0x63: {  	s29 =	sor.u32 $0x3C00, s22  }
0x64: {  	[hbm4b:s6+s3] =	stream.indirect_vreg.scatter [tilespmem:s29], [sflag:$0x5], $0x80, v3, vm0, $0x2000b8;
	[tilespmem:$0x18100] =	vst v63  }
0x65: {  	s30 =	sadd.s32 $0x4400, s22  }
0x66: {  	[hbm4b:s10+s3] =	stream.indirect_vreg.scatter [tilespmem:s30], [sflag:$0x5], $0x80, v3, vm1, $0x2000b8;
	[tilespmem:$0x18100] =	vst v63  }
0x67: {  	v3 =	vld [tilespmem:s23+$0x18030];
	_ =	sdelay $0x4  }
0x68: {  	v59 =	vshrl.u32 v3, $0x3  }
0x69: {  	v4 =	vmul.u32 $0x18, v59  }
0x6a: {  	v3 =	vand.u32 $0x7, v3  }
0x6b: {  	v3 =	vor.u32 v3, v4  }
0x6c: {  	v4 =	vperm.xlane v3, v0;
	_ =	sdelay $0x1  }
0x6d: {  	v4 =	vadd.s32 v1, v4;
	_ =	sdelay $0x1  }
0x6e: {  	v3 =	vperm.xlane v3, v2;
	_ =	sdelay $0x1  }
0x6f: {  	s31 =	sadd.s32 $0x4800, s22;
	v3 =	vadd.s32 v1, v3  }
0x70: {  	[hbm4b:s6+s3] =	stream.indirect_vreg.scatter [tilespmem:s31], [sflag:$0x5], $0x80, v4, vm0, $0x2000b8;
	[tilespmem:$0x18100] =	vst v63  }
0x71: {  	s25 =	sadd.s32 $0x5000, s22  }
0x72: {  	[hbm4b:s10+s3] =	stream.indirect_vreg.scatter [tilespmem:s25], [sflag:$0x5], $0x80, v4, vm1, $0x2000b8;
	[tilespmem:$0x18100] =	vst v63  }
0x73: {  	s26 =	sadd.s32 $0x5400, s22  }
0x74: {  	[hbm4b:s6+s3] =	stream.indirect_vreg.scatter [tilespmem:s26], [sflag:$0x5], $0x80, v3, vm0, $0x2000b8;
	[tilespmem:$0x18100] =	vst v63  }
0x75: {  	s28 =	sadd.s32 $0x5C00, s22  }
0x76: {  	[hbm4b:s10+s3] =	stream.indirect_vreg.scatter [tilespmem:s28], [sflag:$0x5], $0x80, v3, vm1, $0x2000b8;
	[tilespmem:$0x18100] =	vst v63  }
0x77: {  	v3 =	vld [tilespmem:s23+$0x18040];
	_ =	sdelay $0x4  }
0x78: {  	v60 =	vshrl.u32 v3, $0x3  }
0x79: {  	v4 =	vmul.u32 $0x18, v60  }
0x7a: {  	v3 =	vand.u32 $0x7, v3  }
0x7b: {  	v3 =	vor.u32 v3, v4  }
0x7c: {  	v4 =	vperm.xlane v3, v0;
	_ =	sdelay $0x1  }
0x7d: {  	v4 =	vadd.s32 v1, v4;
	_ =	sdelay $0x1  }
0x7e: {  	v3 =	vperm.xlane v3, v2;
	_ =	sdelay $0x1  }
0x7f: {  	s29 =	sadd.s32 $0x6000, s22;
	v3 =	vadd.s32 v1, v3  }
0x80: {  	[hbm4b:s6+s3] =	stream.indirect_vreg.scatter [tilespmem:s29], [sflag:$0x5], $0x80, v4, vm0, $0x2000b8;
	[tilespmem:$0x18100] =	vst v63  }
0x81: {  	s30 =	sadd.s32 $0x6800, s22  }
0x82: {  	[hbm4b:s10+s3] =	stream.indirect_vreg.scatter [tilespmem:s30], [sflag:$0x5], $0x80, v4, vm1, $0x2000b8;
	[tilespmem:$0x18100] =	vst v63  }
0x83: {  	s31 =	sadd.s32 $0x6C00, s22  }
0x84: {  	[hbm4b:s6+s3] =	stream.indirect_vreg.scatter [tilespmem:s31], [sflag:$0x5], $0x80, v3, vm0, $0x2000b8;
	[tilespmem:$0x18100] =	vst v63  }
0x85: {  	s25 =	sadd.s32 $0x7400, s22  }
0x86: {  	[hbm4b:s10+s3] =	stream.indirect_vreg.scatter [tilespmem:s25], [sflag:$0x5], $0x80, v3, vm1, $0x2000b8;
	[tilespmem:$0x18100] =	vst v63  }
0x87: {  	v3 =	vld [tilespmem:s23+$0x18050];
	_ =	sdelay $0x4  }
0x88: {  	v61 =	vshrl.u32 v3, $0x3  }
0x89: {  	v4 =	vmul.u32 $0x18, v61  }
0x8a: {  	v3 =	vand.u32 $0x7, v3  }
0x8b: {  	v3 =	vor.u32 v3, v4  }
0x8c: {  	v4 =	vperm.xlane v3, v0;
	_ =	sdelay $0x1  }
0x8d: {  	v4 =	vadd.s32 v1, v4;
	_ =	sdelay $0x1  }
0x8e: {  	v3 =	vperm.xlane v3, v2;
	_ =	sdelay $0x1  }
0x8f: {  	s26 =	sadd.s32 $0x7800, s22;
	v3 =	vadd.s32 v1, v3  }
0x90: {  	[hbm4b:s6+s3] =	stream.indirect_vreg.scatter [tilespmem:s26], [sflag:$0x5], $0x80, v4, vm0, $0x2000b8;
	[tilespmem:$0x18100] =	vst v63  }
0x91: {  	s28 =	sadd.s32 $0x8000, s22  }
0x92: {  	[hbm4b:s10+s3] =	stream.indirect_vreg.scatter [tilespmem:s28], [sflag:$0x5], $0x80, v4, vm1, $0x2000b8;
	[tilespmem:$0x18100] =	vst v63  }
0x93: {  	s29 =	sadd.s32 $0x8400, s22  }
0x94: {  	[hbm4b:s6+s3] =	stream.indirect_vreg.scatter [tilespmem:s29], [sflag:$0x5], $0x80, v3, vm0, $0x2000b8;
	[tilespmem:$0x18100] =	vst v63  }
0x95: {  	s30 =	sadd.s32 $0x8C00, s22  }
0x96: {  	[hbm4b:s10+s3] =	stream.indirect_vreg.scatter [tilespmem:s30], [sflag:$0x5], $0x80, v3, vm1, $0x2000b8;
	[tilespmem:$0x18100] =	vst v63  }
0x97: {  	v3 =	vld [tilespmem:s23+$0x18060];
	_ =	sdelay $0x4  }
0x98: {  	v62 =	vshrl.u32 v3, $0x3  }
0x99: {  	v4 =	vmul.u32 $0x18, v62  }
0x9a: {  	v3 =	vand.u32 $0x7, v3  }
0x9b: {  	v3 =	vor.u32 v3, v4  }
0x9c: {  	v4 =	vperm.xlane v3, v0;
	_ =	sdelay $0x1  }
0x9d: {  	v4 =	vadd.s32 v1, v4;
	_ =	sdelay $0x1  }
0x9e: {  	v3 =	vperm.xlane v3, v2;
	_ =	sdelay $0x1  }
0x9f: {  	s31 =	sadd.s32 $0x9000, s22;
	v3 =	vadd.s32 v1, v3  }
0xa0: {  	[hbm4b:s6+s3] =	stream.indirect_vreg.scatter [tilespmem:s31], [sflag:$0x5], $0x80, v4, vm0, $0x2000b8;
	[tilespmem:$0x18100] =	vst v63  }
0xa1: {  	s25 =	sadd.s32 $0x9800, s22  }
0xa2: {  	[hbm4b:s10+s3] =	stream.indirect_vreg.scatter [tilespmem:s25], [sflag:$0x5], $0x80, v4, vm1, $0x2000b8;
	[tilespmem:$0x18100] =	vst v63  }
0xa3: {  	s26 =	sadd.s32 $0x9C00, s22  }
0xa4: {  	[hbm4b:s6+s3] =	stream.indirect_vreg.scatter [tilespmem:s26], [sflag:$0x5], $0x80, v3, vm0, $0x2000b8;
	[tilespmem:$0x18100] =	vst v63  }
0xa5: {  	s28 =	sadd.s32 $0xA400, s22  }
0xa6: {  	[hbm4b:s10+s3] =	stream.indirect_vreg.scatter [tilespmem:s28], [sflag:$0x5], $0x80, v3, vm1, $0x2000b8;
	[tilespmem:$0x18100] =	vst v63  }
0xa7: {  	v3 =	vld [tilespmem:s23+$0x18070];
	_ =	sdelay $0x4  }
0xa8: {  	v63 =	vshrl.u32 v3, $0x3  }
0xa9: {  	v4 =	vmul.u32 $0x18, v63  }
0xaa: {  	v3 =	vand.u32 $0x7, v3  }
0xab: {  	v3 =	vor.u32 v3, v4  }
0xac: {  	v4 =	vperm.xlane v3, v0;
	_ =	sdelay $0x1  }
0xad: {  	v4 =	vadd.s32 v1, v4;
	_ =	sdelay $0x1  }
0xae: {  	v3 =	vperm.xlane v3, v2;
	_ =	sdelay $0x1  }
0xaf: {  	s29 =	sadd.s32 $0xA800, s22;
	v3 =	vadd.s32 v1, v3  }
0xb0: {  	[hbm4b:s6+s3] =	stream.indirect_vreg.scatter [tilespmem:s29], [sflag:$0x5], $0x80, v4, vm0, $0x2000b8;
	[tilespmem:$0x18100] =	vst v63  }
0xb1: {  	s30 =	sadd.s32 $0xB000, s22  }
0xb2: {  	[hbm4b:s10+s3] =	stream.indirect_vreg.scatter [tilespmem:s30], [sflag:$0x5], $0x80, v4, vm1, $0x2000b8;
	[tilespmem:$0x18100] =	vst v63  }
0xb3: {  	s31 =	sadd.s32 $0xB400, s22  }
0xb4: {  	[hbm4b:s6+s3] =	stream.indirect_vreg.scatter [tilespmem:s31], [sflag:$0x5], $0x80, v3, vm0, $0x2000b8;
	[tilespmem:$0x18100] =	vst v63  }
0xb5: {  	p6 =	seq.s32 s15, $0x1;
	s15 =	sadd.s32 $0xFFFFFFFF, s15;
	s22 =	sadd.s32 $0xBC00, s22  }
0xb6: {  	[hbm4b:s10+s3] =	stream.indirect_vreg.scatter [tilespmem:s22], [sflag:$0x5], $0x80, v3, vm1, $0x2000b8;
	[tilespmem:$0x18100] =	vst v63  }
0xb7: {  	p0 =	por p6, p0;
	s24 =	simm.s32 $0x1;
	s22 =	simm.s32 $0x1  }
0xb8: {  	s23 =	simm.s32 $0x1;
	s22 =	simm.s32 @!p0 $0x0;
	p0 =	sne.s32 s15, $0x0  }
.Ltmp0:
0xb9: {  	s23 =	simm.s32 @!p1 $0x0;
	p1 =	por p6, p2;
	(pc) =	sbr.rel @p0 .LBB2_2-.Ltmp0, $4  }
0xba: {  	s20 =	sadd.s32 s23, s20;
	s23 =	simm.s32 $0x1;
	_ =	swait.ge [sflag:s13], $0xC000  }
0xbb: {  	s24 =	simm.s32 @!p3 $0x0;
	s23 =	simm.s32 @!p1 $0x0;
	[sflag:s13] =	ssyncset.done $0x0  }
0xbc: {  	s18 =	sadd.s32 s24, s18;
	s16 =	sadd.s32 s23, s16;
	[sflag:s13] =	ssyncadd.s32 $0xFFFF4000  }
0xbd: {  	s19 =	sadd.s32 s22, s19;
	s22 =	smov.u32 s21;
	_ =	strace $0x9000004D  }
0xbe: {  	s14 =	sadd.s32 $0x1, s14  }
0xbf: {  	p0 =	sne.s32 s14, s11  }
.Ltmp1:
0xc0: {  	_ = 	snop;
	(pc) =	sbr.rel @p0 .LBB2_1-.Ltmp1, $1  }
0xc1: {  	_ =	sdelay $0x3  }
0xc2: {  	_ =	sfence.sel $0x180000  }
0xc3: {  	[bflag:$0x0] =	sbarrier.arrive $0xFFFF  }
0xc4: {  	p0 =	sne.s32 s0, $0x0;
	_ =	strace $0x90000047  }
0xc5: {  	s0 =	sadd.s32 @!p0 $0x100000, s1;
	[bflag:$0x2] =	sbarrier.arrive $0xFFFF  }
0xc6: {  	[sflag:s0] =	ssyncadd.tile.s32 @!p0 $0x1;
	_ =	shalt  }
.Lfunc_end2:
_tile_overlayer_lowered:
.L_overlay_start_2:
0xc7: {  	(tag) =	ssettag $0x2  }
0xc8: {  	s0 =	rddreg [dreg:$0x0];
	s2 =	stileid.u32  }
0xc9: {  	s1 =	rddreg [dreg:$0x1];
	p0 =	sne.s32 s2, $0x0  }
0xca: {  	s3 =	rddreg [dreg:$0x2];
	[bflag:$0x3] =	sbarrier.arrive $0xFFFF;
	s2 =	simm.s32 @!p0 $0x1C01  }
0xcb: {  	[timem:s3], [sflag:s2] =	dma.local @!p0 [hbm:s0], s1  }
0xcc: {  	s0 =	simm.s32 @!p0 $0x1  }
0xcd: {  	_ =	swait.ge @!p0 [sflag:s0], s1  }
0xce: {  	s1 =	ssub.s32 @!p0 $0x0, s1;
	[sflag:s0] =	ssyncset.done @!p0 $0x0  }
0xcf: {  	[sflag:s0] =	ssyncadd.s32 @!p0 s1  }
0xd0: {  	[bflag:$0x3] =	sbarrier.arrive $0xFFFF  }
0xd1: {  	_ =	shalt  }

</sc_bundles>
